<compile_context>
chip_gen: v7x
topology: tpu7x:2x2x1
jax: 0.10.2.dev20260603
libtpu: 0.0.44.dev20260713+nightly
codegen_flags: <defaults>
</compile_context>

<pallas_src>
import functools
import math

import jax
import jax.numpy as jnp
from jax import lax
from jax.experimental import pallas as pl
from jax.experimental.pallas import tpu as pltpu
from jax.experimental.pallas import tpu_sc as plsc

EMBED_DIM = 1024
NUM_HEADS = 16
HEAD_DIM = 64
K_NODES = 8
S_LEN = 2048
CAP = 320
L_FLAT = CAP * NUM_HEADS



def _mm_kernel(a_ref, b_ref, bias_ref, o_ref, *, act, bf16):
    a = a_ref[...]
    b = b_ref[...]
    if bf16:
        a = a.astype(jnp.bfloat16)
        b = b.astype(jnp.bfloat16)
    acc = jnp.dot(a, b, preferred_element_type=jnp.float32)
    if bias_ref is not None:
        acc = acc + bias_ref[...]
    if act == "gelu":
        acc = jax.nn.gelu(acc)
    o_ref[...] = acc


def _matmul(a, b, bias=None, act=None, bm=256, bn=256, bf16=False):
    m, k = a.shape
    k2, n = b.shape
    assert k == k2
    grid = (m // bm, n // bn)
    if bias is None:
        def kern2(a_ref, b_ref, o_ref):
            _mm_kernel(a_ref, b_ref, None, o_ref, act=act, bf16=bf16)
        return pl.pallas_call(
            kern2,
            grid=grid,
            in_specs=[
                pl.BlockSpec((bm, k), lambda i, j: (i, 0)),
                pl.BlockSpec((k, bn), lambda i, j: (0, j)),
            ],
            out_specs=pl.BlockSpec((bm, bn), lambda i, j: (i, j)),
            out_shape=jax.ShapeDtypeStruct((m, n), jnp.float32),
        )(a, b)
    return pl.pallas_call(
        functools.partial(_mm_kernel, act=act, bf16=bf16),
        grid=grid,
        in_specs=[
            pl.BlockSpec((bm, k), lambda i, j: (i, 0)),
            pl.BlockSpec((k, bn), lambda i, j: (0, j)),
            pl.BlockSpec((1, bn), lambda i, j: (0, j)),
        ],
        out_specs=pl.BlockSpec((bm, bn), lambda i, j: (i, j)),
        out_shape=jax.ShapeDtypeStruct((m, n), jnp.float32),
    )(a, b, bias.reshape(1, n))



def _router_kernel(x_ref, w1_ref, b1_ref, w2_ref, b2_ref, o_ref):
    h = jnp.dot(x_ref[...], w1_ref[...], preferred_element_type=jnp.float32)
    h = jax.nn.gelu(h + b1_ref[...])
    o_ref[...] = jnp.dot(h, w2_ref[...],
                         preferred_element_type=jnp.float32) + b2_ref[...]


def _router(x2, W1t, b1, W2t, b2):
    S, E = x2.shape
    Eh, n = W2t.shape[0], W2t.shape[1]
    bm = 256
    return pl.pallas_call(
        _router_kernel,
        grid=(S // bm,),
        in_specs=[
            pl.BlockSpec((bm, E), lambda i: (i, 0)),
            pl.BlockSpec((E, Eh), lambda i: (0, 0)),
            pl.BlockSpec((1, Eh), lambda i: (0, 0)),
            pl.BlockSpec((Eh, n), lambda i: (0, 0)),
            pl.BlockSpec((1, n), lambda i: (0, 0)),
        ],
        out_specs=pl.BlockSpec((bm, n), lambda i: (i, 0)),
        out_shape=jax.ShapeDtypeStruct((S, n), jnp.float32),
    )(x2, W1t, b1.reshape(1, Eh), W2t, b2.reshape(1, n))


def _qkv_kernel(x_ref, wq_ref, wk_ref, wv_ref, qo_ref, ko_ref, vo_ref):
    x = x_ref[...].astype(jnp.bfloat16)
    for w_ref, o_ref in ((wq_ref, qo_ref), (wk_ref, ko_ref), (wv_ref, vo_ref)):
        o_ref[...] = jnp.dot(x, w_ref[...].astype(jnp.bfloat16),
                             preferred_element_type=jnp.float32)


def _qkv(x2, Wqt, Wkt, Wvt):
    S, E = x2.shape
    bm, bn = 256, 512
    wspec = pl.BlockSpec((E, bn), lambda i, j: (0, j))
    ospec = pl.BlockSpec((bm, bn), lambda i, j: (i, j))
    return pl.pallas_call(
        _qkv_kernel,
        grid=(S // bm, E // bn),
        in_specs=[pl.BlockSpec((bm, E), lambda i, j: (i, 0)),
                  wspec, wspec, wspec],
        out_specs=[ospec, ospec, ospec],
        out_shape=[jax.ShapeDtypeStruct((S, E), jnp.float32)] * 3,
    )(x2, Wqt, Wkt, Wvt)



def _rope(a, cos, sin):
    h = HEAD_DIM // 2
    rot = jnp.concatenate([-a[..., h:], a[..., :h]], axis=-1)
    return a * cos + rot * sin


def _kprep_kernel(k_ref, cos_ref, sin_ref, kr_ref, kn_ref):
    k = k_ref[0]
    kn_ref[0, 0, 0] = jnp.max(jnp.sum(k * k, axis=-1))
    kr_ref[0] = _rope(k, cos_ref[...], sin_ref[...])


def _kprep(k_g, cos, sin):
    K, L, d = k_g.shape
    return pl.pallas_call(
        _kprep_kernel,
        grid=(K,),
        in_specs=[
            pl.BlockSpec((1, L, d), lambda e: (e, 0, 0)),
            pl.BlockSpec((L, d), lambda e: (0, 0)),
            pl.BlockSpec((L, d), lambda e: (0, 0)),
        ],
        out_specs=[
            pl.BlockSpec((1, L, d), lambda e: (e, 0, 0)),
            pl.BlockSpec((1, 1, 1), lambda e: (e, 0, 0), memory_space=pltpu.SMEM),
        ],
        out_shape=[
            jax.ShapeDtypeStruct((K, L, d), jnp.float32),
            jax.ShapeDtypeStruct((K, 1, 1), jnp.float32),
        ],
    )(k_g, cos, sin)



_BQ = 1024
_BK = 1024


def _flash_kernel(knmax_ref, q_ref, k_ref, v_ref, cos_ref, sin_ref, o_ref,
                  *, scale):
    i = pl.program_id(1)
    q = _rope(q_ref[0], cos_ref[...], sin_ref[...])
    qn = jnp.sum(q * q, axis=-1, keepdims=True)
    m = jnp.sqrt(qn * knmax_ref[0, 0, 0]) * scale + 1e-20
    qs = (q * scale).astype(jnp.bfloat16)
    rows = i * _BQ + lax.broadcasted_iota(jnp.int32, (_BQ, _BK), 0)

    def step(j, carry, masked):
        l, acc = carry
        kb = k_ref[0, pl.ds(j * _BK, _BK), :].astype(jnp.bfloat16)
        vb = v_ref[0, pl.ds(j * _BK, _BK), :].astype(jnp.bfloat16)
        s = jax.lax.dot_general(qs, kb, (((1,), (1,)), ((), ())),
                                preferred_element_type=jnp.float32)
        if masked:
            cols = j * _BK + lax.broadcasted_iota(jnp.int32, (_BQ, _BK), 1)
            s = jnp.where(cols <= rows, s, -jnp.inf)
        p = jnp.exp(s - m)
        l_new = l + jnp.sum(p, axis=-1, keepdims=True)
        acc_new = acc + jnp.dot(p.astype(jnp.bfloat16), vb,
                                preferred_element_type=jnp.float32)
        return l_new, acc_new

    l0 = jnp.zeros((_BQ, 1), jnp.float32)
    a0 = jnp.zeros((_BQ, HEAD_DIM), jnp.float32)
    nfull = (i * _BQ) // _BK
    total = ((i + 1) * _BQ + _BK - 1) // _BK
    l, acc = lax.fori_loop(0, nfull, lambda j, c: step(j, c, False), (l0, a0))
    l, acc = lax.fori_loop(nfull, total, lambda j, c: step(j, c, True), (l, acc))
    o_ref[0] = acc / l


def _flash_attention(knmax2, q, k, v, cos, sin):
    kk, L, d = q.shape
    grid = (kk, L // _BQ)
    scale = HEAD_DIM ** -0.5
    return pl.pallas_call(
        functools.partial(_flash_kernel, scale=scale),
        grid=grid,
        in_specs=[
            pl.BlockSpec((1, 1, 1), lambda e, i: (e, 0, 0),
                         memory_space=pltpu.SMEM),
            pl.BlockSpec((1, _BQ, d), lambda e, i: (e, i, 0)),
            pl.BlockSpec((1, L, d), lambda e, i: (e, 0, 0)),
            pl.BlockSpec((1, L, d), lambda e, i: (e, 0, 0)),
            pl.BlockSpec((_BQ, d), lambda e, i: (i, 0)),
            pl.BlockSpec((_BQ, d), lambda e, i: (i, 0)),
        ],
        out_specs=pl.BlockSpec((1, _BQ, d), lambda e, i: (e, i, 0)),
        out_shape=jax.ShapeDtypeStruct((kk, L, d), jnp.float32),
    )(knmax2, q, k, v, cos, sin)



_NC, _NS = 2, 16
_NW = _NC * _NS
_RPW = K_NODES * CAP // _NW
_GCH = 40


def _sc_gather3(idx, q_p, k_p, v_p):
    mesh = plsc.VectorSubcoreMesh(core_axis_name="c", subcore_axis_name="s")
    R, E = K_NODES * CAP, EMBED_DIM
    out_t = tuple(jax.ShapeDtypeStruct((R, E), jnp.float32) for _ in range(3))

    @functools.partial(
        pl.kernel, out_type=out_t, mesh=mesh,
        scratch_types=[
            pltpu.VMEM((_GCH,), jnp.int32),
            pltpu.VMEM((_GCH, E), jnp.float32),
            pltpu.VMEM((_GCH,), jnp.int32),
            pltpu.VMEM((_GCH, E), jnp.float32),
            pltpu.SemaphoreType.DMA,
            pltpu.SemaphoreType.DMA,
        ],
    )
    def k(idx_hbm, q_hbm, k_hbm, v_hbm, qo, ko, vo,
          idx0, buf0, idx1, buf1, sem0, sem1):
        wid = lax.axis_index("s") * _NC + lax.axis_index("c")
        base = wid * _RPW
        jobs = [(t, c) for t in range(3) for c in range(2)]
        srcs = (q_hbm, k_hbm, v_hbm)
        dsts = (qo, ko, vo)
        slots = ((idx0, buf0, sem0), (idx1, buf1, sem1))
        pending = [None, None]
        for j, (t, c) in enumerate(jobs):
            sl = j % 2
            idx_v, buf, sem = slots[sl]
            if pending[sl] is not None:
                cp, dst_sl = pending[sl]
                cp.wait()
                pltpu.sync_copy(buf, dst_sl)
            off = base + c * _GCH
            pltpu.sync_copy(idx_hbm.at[pl.ds(off, _GCH)], idx_v)
            pending[sl] = (pltpu.async_copy(srcs[t].at[idx_v], buf, sem),
                           dsts[t].at[pl.ds(off, _GCH)])
        for sl in range(2):
            cp, dst_sl = pending[sl]
            cp.wait()
            pltpu.sync_copy(slots[sl][1], dst_sl)

    return k(idx, q_p, k_p, v_p)



def kernel(x, Wq, Wk, Wv, Wo, Wr1, br1, Wr2, br2):
    B, S, E = x.shape
    H, d, K = NUM_HEADS, HEAD_DIM, K_NODES
    cap, L = CAP, L_FLAT
    x2 = x.reshape(S, E)

    Wr2p = jnp.zeros((128, E // 2), jnp.float32).at[:K_NODES].set(Wr2)
    br2p = jnp.zeros((128,), jnp.float32).at[:K_NODES].set(br2)
    scores_p = _router(x2, Wr1.T, br1, Wr2p.T, br2p)
    scores = scores_p[:, :K]
    aux_loss = -jnp.mean(jnp.max(scores, axis=-1))

    topk_scores, topk_idx = lax.top_k(scores.T, cap)
    sel_w = jax.nn.softmax(topk_scores, axis=-1)
    flat_idx = topk_idx.reshape(K * cap)

    q_p, k_p, v_p = _qkv(x2, Wq.T, Wk.T, Wv.T)
    q_g, k_g, v_g = _sc_gather3(flat_idx, q_p, k_p, v_p)
    q_g = q_g.reshape(K, L, d)
    k_g = k_g.reshape(K, L, d)
    v_g = v_g.reshape(K, L, d)

    inv_freq = 1.0 / (10000.0 ** (jnp.arange(0, d, 2, dtype=jnp.float32) / d))
    t = jnp.arange(cap, dtype=jnp.float32)
    freqs = jnp.outer(t, inv_freq)
    emb = jnp.concatenate([freqs, freqs], axis=-1)
    cos = jnp.repeat(jnp.cos(emb), H, axis=0)
    sin = jnp.repeat(jnp.sin(emb), H, axis=0)

    kr, knmax2 = _kprep(k_g, cos, sin)

    o = _flash_attention(knmax2, q_g, kr, v_g, cos, sin)

    og = o.reshape(K * cap, E) * sel_w.reshape(K * cap, 1)
    out_full = jnp.zeros((S, E), jnp.float32).at[flat_idx].add(og)
    output = _matmul(out_full, Wo.T, bn=512, bf16=True)
    return (output.reshape(B, S, E), aux_loss)

# --- scband reference (transcript-rebuilt; emitter-appended) ---
"""Pipeline reference for scband-hyper-graph-optimized-attention-81466939670772 (READ-ONLY COPY).

The authoritative reference and input builder live on the scoring server;
editing this copy changes nothing except your own understanding.
"""

import jax, jax.numpy as jnp
import numpy as np

EMBED_DIM = 1024
NUM_HEADS = 16
HEAD_DIM = 64
K_NODES = 8
CAP_FACTOR = 1.25


def rotate_half(x):
    h = x.shape[-1] // 2
    return jnp.concatenate([-x[..., h:], x[..., :h]], axis=-1)


def setup_inputs(seed: int = 0) -> dict:
    key = jax.random.key(seed)
    ks = jax.random.split(key, 8)
    B, S = 1, 2048

    def xavier(k, shape):
        fan_out, fan_in = shape
        lim = (6.0 / (fan_in + fan_out)) ** 0.5
        return jax.random.uniform(k, shape, jnp.float32, -lim, lim)

    x = jax.random.normal(ks[0], (B, S, EMBED_DIM), jnp.float32)
    Wq = xavier(ks[1], (NUM_HEADS * HEAD_DIM, EMBED_DIM))
    Wk = xavier(ks[2], (NUM_HEADS * HEAD_DIM, EMBED_DIM))
    Wv = xavier(ks[3], (NUM_HEADS * HEAD_DIM, EMBED_DIM))
    Wo = xavier(ks[4], (EMBED_DIM, NUM_HEADS * HEAD_DIM))
    Wr1 = xavier(ks[5], (EMBED_DIM // 2, EMBED_DIM))
    br1 = jnp.zeros((EMBED_DIM // 2,), jnp.float32)
    Wr2 = xavier(ks[6], (K_NODES, EMBED_DIM // 2))
    br2 = jnp.zeros((K_NODES,), jnp.float32)
    return {"x": x, "Wq": Wq, "Wk": Wk, "Wv": Wv, "Wo": Wo,
            "Wr1": Wr1, "br1": br1, "Wr2": Wr2, "br2": br2}


def reference(x, Wq, Wk, Wv, Wo, Wr1, br1, Wr2, br2):
    B, S, _ = x.shape
    H, d, K = NUM_HEADS, HEAD_DIM, K_NODES
    scale = d ** (-0.5)

    # Expert-choice routing (router MLP: Linear -> GELU -> Linear)
    hdn = jax.nn.gelu(x @ Wr1.T + br1)
    scores = hdn @ Wr2.T + br2  # (B, S, K)
    cap = min(int(S / K * CAP_FACTOR), S)
    scores_t = jnp.transpose(scores, (0, 2, 1))  # (B, K, S)
    topk_scores, topk_idx = jax.lax.top_k(scores_t, cap)  # (B, K, cap)
    sel_w = jax.nn.softmax(topk_scores, axis=-1)
    aux_loss = -jnp.mean(jnp.max(scores, axis=-1))
    sel_idx = topk_idx[0]   # (K, cap) -- module uses batch-0 indices
    sel_w0 = sel_w[0]       # (K, cap)

    # QKV projections
    q = (x @ Wq.T).reshape(B, S, H, d).transpose(0, 2, 1, 3)
    k_ = (x @ Wk.T).reshape(B, S, H, d).transpose(0, 2, 1, 3)
    v_ = (x @ Wv.T).reshape(B, S, H, d).transpose(0, 2, 1, 3)

    # Timeline-local RoPE cache
    inv_freq = 1.0 / (10000.0 ** (jnp.arange(0, d, 2, dtype=jnp.float32) / d))
    t = jnp.arange(cap, dtype=jnp.float32)
    freqs = jnp.outer(t, inv_freq)
    emb = jnp.concatenate([freqs, freqs], axis=-1)
    cos = jnp.cos(emb)[None, None]  # (1,1,cap,d)
    sin = jnp.sin(emb)[None, None]

    L = cap * H
    causal = jnp.tril(jnp.ones((L, L), dtype=bool))
    out_full = jnp.zeros((B, H, S, d), x.dtype)

    for kk in range(K):
        idx = sel_idx[kk]  # (cap,)
        qt = jnp.take(q, idx, axis=2)
        kt = jnp.take(k_, idx, axis=2)
        vt = jnp.take(v_, idx, axis=2)
        qt = qt * cos + rotate_half(qt) * sin
        kt = kt * cos + rotate_half(kt) * sin
        # xformers call path: (B, cap, H, d) -> (B, cap*H, 1, d), causal over cap*H
        q_xf = qt.transpose(0, 2, 1, 3).reshape(B, L, d)
        k_xf = kt.transpose(0, 2, 1, 3).reshape(B, L, d)
        v_xf = vt.transpose(0, 2, 1, 3).reshape(B, L, d)
        att = jnp.einsum('bld,bmd->blm', q_xf, k_xf) * scale
        att = jnp.where(causal[None], att, -1e9)
        att = jax.nn.softmax(att, axis=-1)
        ot = jnp.einsum('blm,bmd->bld', att, v_xf)
        ot = ot.reshape(B, cap, H, d).transpose(0, 2, 1, 3)  # (B,H,cap,d)
        w = sel_w0[kk]
        out_full = out_full.at[:, :, idx, :].add(ot * w[None, None, :, None])

    output = out_full.transpose(0, 2, 1, 3).reshape(B, S, H * d) @ Wo.T
    return (output, aux_loss)

if __name__ == "__main__":
    import jax
    _d = setup_inputs()
    print(jax.jit(kernel)(*tuple(_d.values())))

</pallas_src>

<mosaic_0001>
#map = affine_map<(d0, d1) -> (0)>
#map1 = affine_map<(d0, d1) -> (0, 0)>
module attributes {stable_mosaic.version = 14 : i64} {
  func.func @k(%arg0: i32, %arg1: i32, %arg2: memref<2560xi32, #tpu.memory_space<hbm>>, %arg3: memref<2048x1024xf32, #tpu.memory_space<hbm>>, %arg4: memref<2048x1024xf32, #tpu.memory_space<hbm>>, %arg5: memref<2048x1024xf32, #tpu.memory_space<hbm>>, %arg6: memref<2560x1024xf32, #tpu.memory_space<hbm>>, %arg7: memref<2560x1024xf32, #tpu.memory_space<hbm>>, %arg8: memref<2560x1024xf32, #tpu.memory_space<hbm>>, %arg9: memref<40xi32, #tpu.memory_space<vmem>>, %arg10: memref<40x1024xf32, #tpu.memory_space<vmem>>, %arg11: memref<40xi32, #tpu.memory_space<vmem>>, %arg12: memref<40x1024xf32, #tpu.memory_space<vmem>>, %arg13: memref<!tpu.dma_semaphore, #tpu.memory_space<semaphore_mem>>, %arg14: memref<!tpu.dma_semaphore, #tpu.memory_space<semaphore_mem>>) attributes {dimension_semantics = [#tpu.dimension_semantics<core_parallel>, #tpu.dimension_semantics<subcore_parallel>], iteration_bounds = array<i64: 2, 16>, scalar_prefetch = 0 : i64, scratch_operands = 6 : i64, tpu.core_type = #tpu.core_type<sc_vector_subcore>, window_params = [{transform_indices = #map}, {transform_indices = #map1}, {transform_indices = #map1}, {transform_indices = #map1}, {transform_indices = #map1}, {transform_indices = #map1}, {transform_indices = #map1}]} {
    %mul3A = arith.constant 2 : i32
    %mul3A_0 = arith.muli %arg1, %mul3A : i32
    %add3A = arith.addi %mul3A_0, %arg0 : i32
    %mul3A_1 = arith.constant 80 : i32
    %mul3A_2 = arith.muli %add3A, %mul3A_1 : i32
    %add3A_3 = arith.constant 0 : i32
    %add3A_4 = arith.addi %mul3A_2, %add3A_3 : i32
    "tpu.region"() ({
      %run_scoped3A = tpu.sem_alloc : memref<!tpu.dma_semaphore, #tpu.memory_space<semaphore_mem>>
      %dma_start3A_49 = tpu.memref_slice %arg2[%add3A_4] : memref<2560xi32, #tpu.memory_space<hbm>> -> memref<40xi32, #tpu.memory_space<hbm>>
      %dma_start3A_50 = tpu.memref_slice %arg2[%add3A_4] : memref<2560xi32, #tpu.memory_space<hbm>> -> memref<40xi32, #tpu.memory_space<hbm>>
      tpu.enqueue_dma source(%dma_start3A_50 : memref<40xi32, #tpu.memory_space<hbm>>) target(%arg9 : memref<40xi32, #tpu.memory_space<vmem>>) target_semaphore(%run_scoped3A : memref<!tpu.dma_semaphore, #tpu.memory_space<semaphore_mem>>)
      %dma_wait3A_51 = tpu.memref_slice %arg2[%add3A_4] : memref<2560xi32, #tpu.memory_space<hbm>> -> memref<40xi32, #tpu.memory_space<hbm>>
      %dma_wait3A_52 = tpu.memref_slice %arg2[%add3A_4] : memref<2560xi32, #tpu.memory_space<hbm>> -> memref<40xi32, #tpu.memory_space<hbm>>
      tpu.wait_dma2 semaphore(%run_scoped3A : memref<!tpu.dma_semaphore, #tpu.memory_space<semaphore_mem>>) src(%dma_wait3A_52 : memref<40xi32, #tpu.memory_space<hbm>>) dst(%arg9 : memref<40xi32, #tpu.memory_space<vmem>>)
      tpu.yield
    }) : () -> ()
    %dma_start3A = arith.constant 0 : i32
    %dma_start3A_5 = arith.constant 0 : i32
    %dma_start3A_6 = tpu.memref_slice %arg3[%dma_start3A, %dma_start3A_5] : memref<2048x1024xf32, #tpu.memory_space<hbm>> -> memref<2048x1024xf32, #tpu.memory_space<hbm>>
    tpu.enqueue_indirect_dma source(%dma_start3A_6 : memref<2048x1024xf32, #tpu.memory_space<hbm>>) target(%arg10 : memref<40x1024xf32, #tpu.memory_space<vmem>>) offsets(%arg9 : memref<40xi32, #tpu.memory_space<vmem>>) semaphore(%arg13 : memref<!tpu.dma_semaphore, #tpu.memory_space<semaphore_mem>>)
    %add3A_7 = arith.constant 40 : i32
    %add3A_8 = arith.addi %mul3A_2, %add3A_7 : i32
    "tpu.region"() ({
      %run_scoped3A = tpu.sem_alloc : memref<!tpu.dma_semaphore, #tpu.memory_space<semaphore_mem>>
      %dma_start3A_49 = tpu.memref_slice %arg2[%add3A_8] : memref<2560xi32, #tpu.memory_space<hbm>> -> memref<40xi32, #tpu.memory_space<hbm>>
      %dma_start3A_50 = tpu.memref_slice %arg2[%add3A_8] : memref<2560xi32, #tpu.memory_space<hbm>> -> memref<40xi32, #tpu.memory_space<hbm>>
      tpu.enqueue_dma source(%dma_start3A_50 : memref<40xi32, #tpu.memory_space<hbm>>) target(%arg11 : memref<40xi32, #tpu.memory_space<vmem>>) target_semaphore(%run_scoped3A : memref<!tpu.dma_semaphore, #tpu.memory_space<semaphore_mem>>)
      %dma_wait3A_51 = tpu.memref_slice %arg2[%add3A_8] : memref<2560xi32, #tpu.memory_space<hbm>> -> memref<40xi32, #tpu.memory_space<hbm>>
      %dma_wait3A_52 = tpu.memref_slice %arg2[%add3A_8] : memref<2560xi32, #tpu.memory_space<hbm>> -> memref<40xi32, #tpu.memory_space<hbm>>
      tpu.wait_dma2 semaphore(%run_scoped3A : memref<!tpu.dma_semaphore, #tpu.memory_space<semaphore_mem>>) src(%dma_wait3A_52 : memref<40xi32, #tpu.memory_space<hbm>>) dst(%arg11 : memref<40xi32, #tpu.memory_space<vmem>>)
      tpu.yield
    }) : () -> ()
    %dma_start3A_9 = arith.constant 0 : i32
    %dma_start3A_10 = arith.constant 0 : i32
    %dma_start3A_11 = tpu.memref_slice %arg3[%dma_start3A_9, %dma_start3A_10] : memref<2048x1024xf32, #tpu.memory_space<hbm>> -> memref<2048x1024xf32, #tpu.memory_space<hbm>>
    tpu.enqueue_indirect_dma source(%dma_start3A_11 : memref<2048x1024xf32, #tpu.memory_space<hbm>>) target(%arg12 : memref<40x1024xf32, #tpu.memory_space<vmem>>) offsets(%arg11 : memref<40xi32, #tpu.memory_space<vmem>>) semaphore(%arg14 : memref<!tpu.dma_semaphore, #tpu.memory_space<semaphore_mem>>)
    %dma_wait3A = arith.constant 0 : i32
    %dma_wait3A_12 = arith.constant 0 : i32
    %dma_wait3A_13 = tpu.memref_slice %arg3[%dma_wait3A, %dma_wait3A_12] : memref<2048x1024xf32, #tpu.memory_space<hbm>> -> memref<2048x1024xf32, #tpu.memory_space<hbm>>
    tpu.wait_indirect_dma semaphore(%arg13 : memref<!tpu.dma_semaphore, #tpu.memory_space<semaphore_mem>>) src(%dma_wait3A_13 : memref<2048x1024xf32, #tpu.memory_space<hbm>>) dst(%arg10 : memref<40x1024xf32, #tpu.memory_space<vmem>>)
    "tpu.region"() ({
      %run_scoped3A = tpu.sem_alloc : memref<!tpu.dma_semaphore, #tpu.memory_space<semaphore_mem>>
      %dma_start3A_49 = arith.constant 0 : i32
      %dma_start3A_50 = tpu.memref_slice %arg6[%add3A_4, %dma_start3A_49] : memref<2560x1024xf32, #tpu.memory_space<hbm>> -> memref<40x1024xf32, #tpu.memory_space<hbm>>
      %dma_start3A_51 = arith.constant 0 : i32
      %dma_start3A_52 = tpu.memref_slice %arg6[%add3A_4, %dma_start3A_51] : memref<2560x1024xf32, #tpu.memory_space<hbm>> -> memref<40x1024xf32, #tpu.memory_space<hbm>>
      tpu.enqueue_dma source(%arg10 : memref<40x1024xf32, #tpu.memory_space<vmem>>) target(%dma_start3A_52 : memref<40x1024xf32, #tpu.memory_space<hbm>>) target_semaphore(%run_scoped3A : memref<!tpu.dma_semaphore, #tpu.memory_space<semaphore_mem>>)
      %dma_wait3A_53 = arith.constant 0 : i32
      %dma_wait3A_54 = tpu.memref_slice %arg6[%add3A_4, %dma_wait3A_53] : memref<2560x1024xf32, #tpu.memory_space<hbm>> -> memref<40x1024xf32, #tpu.memory_space<hbm>>
      %dma_wait3A_55 = arith.constant 0 : i32
      %dma_wait3A_56 = tpu.memref_slice %arg6[%add3A_4, %dma_wait3A_55] : memref<2560x1024xf32, #tpu.memory_space<hbm>> -> memref<40x1024xf32, #tpu.memory_space<hbm>>
      tpu.wait_dma2 semaphore(%run_scoped3A : memref<!tpu.dma_semaphore, #tpu.memory_space<semaphore_mem>>) src(%arg10 : memref<40x1024xf32, #tpu.memory_space<vmem>>) dst(%dma_wait3A_56 : memref<40x1024xf32, #tpu.memory_space<hbm>>)
      tpu.yield
    }) : () -> ()
    %add3A_14 = arith.constant 0 : i32
    %add3A_15 = arith.addi %mul3A_2, %add3A_14 : i32
    "tpu.region"() ({
      %run_scoped3A = tpu.sem_alloc : memref<!tpu.dma_semaphore, #tpu.memory_space<semaphore_mem>>
      %dma_start3A_49 = tpu.memref_slice %arg2[%add3A_15] : memref<2560xi32, #tpu.memory_space<hbm>> -> memref<40xi32, #tpu.memory_space<hbm>>
      %dma_start3A_50 = tpu.memref_slice %arg2[%add3A_15] : memref<2560xi32, #tpu.memory_space<hbm>> -> memref<40xi32, #tpu.memory_space<hbm>>
      tpu.enqueue_dma source(%dma_start3A_50 : memref<40xi32, #tpu.memory_space<hbm>>) target(%arg9 : memref<40xi32, #tpu.memory_space<vmem>>) target_semaphore(%run_scoped3A : memref<!tpu.dma_semaphore, #tpu.memory_space<semaphore_mem>>)
      %dma_wait3A_51 = tpu.memref_slice %arg2[%add3A_15] : memref<2560xi32, #tpu.memory_space<hbm>> -> memref<40xi32, #tpu.memory_space<hbm>>
      %dma_wait3A_52 = tpu.memref_slice %arg2[%add3A_15] : memref<2560xi32, #tpu.memory_space<hbm>> -> memref<40xi32, #tpu.memory_space<hbm>>
      tpu.wait_dma2 semaphore(%run_scoped3A : memref<!tpu.dma_semaphore, #tpu.memory_space<semaphore_mem>>) src(%dma_wait3A_52 : memref<40xi32, #tpu.memory_space<hbm>>) dst(%arg9 : memref<40xi32, #tpu.memory_space<vmem>>)
      tpu.yield
    }) : () -> ()
    %dma_start3A_16 = arith.constant 0 : i32
    %dma_start3A_17 = arith.constant 0 : i32
    %dma_start3A_18 = tpu.memref_slice %arg4[%dma_start3A_16, %dma_start3A_17] : memref<2048x1024xf32, #tpu.memory_space<hbm>> -> memref<2048x1024xf32, #tpu.memory_space<hbm>>
    tpu.enqueue_indirect_dma source(%dma_start3A_18 : memref<2048x1024xf32, #tpu.memory_space<hbm>>) target(%arg10 : memref<40x1024xf32, #tpu.memory_space<vmem>>) offsets(%arg9 : memref<40xi32, #tpu.memory_space<vmem>>) semaphore(%arg13 : memref<!tpu.dma_semaphore, #tpu.memory_space<semaphore_mem>>)
    %dma_wait3A_19 = arith.constant 0 : i32
    %dma_wait3A_20 = arith.constant 0 : i32
    %dma_wait3A_21 = tpu.memref_slice %arg3[%dma_wait3A_19, %dma_wait3A_20] : memref<2048x1024xf32, #tpu.memory_space<hbm>> -> memref<2048x1024xf32, #tpu.memory_space<hbm>>
    tpu.wait_indirect_dma semaphore(%arg14 : memref<!tpu.dma_semaphore, #tpu.memory_space<semaphore_mem>>) src(%dma_wait3A_21 : memref<2048x1024xf32, #tpu.memory_space<hbm>>) dst(%arg12 : memref<40x1024xf32, #tpu.memory_space<vmem>>)
    "tpu.region"() ({
      %run_scoped3A = tpu.sem_alloc : memref<!tpu.dma_semaphore, #tpu.memory_space<semaphore_mem>>
      %dma_start3A_49 = arith.constant 0 : i32
      %dma_start3A_50 = tpu.memref_slice %arg6[%add3A_8, %dma_start3A_49] : memref<2560x1024xf32, #tpu.memory_space<hbm>> -> memref<40x1024xf32, #tpu.memory_space<hbm>>
      %dma_start3A_51 = arith.constant 0 : i32
      %dma_start3A_52 = tpu.memref_slice %arg6[%add3A_8, %dma_start3A_51] : memref<2560x1024xf32, #tpu.memory_space<hbm>> -> memref<40x1024xf32, #tpu.memory_space<hbm>>
      tpu.enqueue_dma source(%arg12 : memref<40x1024xf32, #tpu.memory_space<vmem>>) target(%dma_start3A_52 : memref<40x1024xf32, #tpu.memory_space<hbm>>) target_semaphore(%run_scoped3A : memref<!tpu.dma_semaphore, #tpu.memory_space<semaphore_mem>>)
      %dma_wait3A_53 = arith.constant 0 : i32
      %dma_wait3A_54 = tpu.memref_slice %arg6[%add3A_8, %dma_wait3A_53] : memref<2560x1024xf32, #tpu.memory_space<hbm>> -> memref<40x1024xf32, #tpu.memory_space<hbm>>
      %dma_wait3A_55 = arith.constant 0 : i32
      %dma_wait3A_56 = tpu.memref_slice %arg6[%add3A_8, %dma_wait3A_55] : memref<2560x1024xf32, #tpu.memory_space<hbm>> -> memref<40x1024xf32, #tpu.memory_space<hbm>>
      tpu.wait_dma2 semaphore(%run_scoped3A : memref<!tpu.dma_semaphore, #tpu.memory_space<semaphore_mem>>) src(%arg12 : memref<40x1024xf32, #tpu.memory_space<vmem>>) dst(%dma_wait3A_56 : memref<40x1024xf32, #tpu.memory_space<hbm>>)
      tpu.yield
    }) : () -> ()
    %add3A_22 = arith.constant 40 : i32
    %add3A_23 = arith.addi %mul3A_2, %add3A_22 : i32
    "tpu.region"() ({
      %run_scoped3A = tpu.sem_alloc : memref<!tpu.dma_semaphore, #tpu.memory_space<semaphore_mem>>
      %dma_start3A_49 = tpu.memref_slice %arg2[%add3A_23] : memref<2560xi32, #tpu.memory_space<hbm>> -> memref<40xi32, #tpu.memory_space<hbm>>
      %dma_start3A_50 = tpu.memref_slice %arg2[%add3A_23] : memref<2560xi32, #tpu.memory_space<hbm>> -> memref<40xi32, #tpu.memory_space<hbm>>
      tpu.enqueue_dma source(%dma_start3A_50 : memref<40xi32, #tpu.memory_space<hbm>>) target(%arg11 : memref<40xi32, #tpu.memory_space<vmem>>) target_semaphore(%run_scoped3A : memref<!tpu.dma_semaphore, #tpu.memory_space<semaphore_mem>>)
      %dma_wait3A_51 = tpu.memref_slice %arg2[%add3A_23] : memref<2560xi32, #tpu.memory_space<hbm>> -> memref<40xi32, #tpu.memory_space<hbm>>
      %dma_wait3A_52 = tpu.memref_slice %arg2[%add3A_23] : memref<2560xi32, #tpu.memory_space<hbm>> -> memref<40xi32, #tpu.memory_space<hbm>>
      tpu.wait_dma2 semaphore(%run_scoped3A : memref<!tpu.dma_semaphore, #tpu.memory_space<semaphore_mem>>) src(%dma_wait3A_52 : memref<40xi32, #tpu.memory_space<hbm>>) dst(%arg11 : memref<40xi32, #tpu.memory_space<vmem>>)
      tpu.yield
    }) : () -> ()
    %dma_start3A_24 = arith.constant 0 : i32
    %dma_start3A_25 = arith.constant 0 : i32
    %dma_start3A_26 = tpu.memref_slice %arg4[%dma_start3A_24, %dma_start3A_25] : memref<2048x1024xf32, #tpu.memory_space<hbm>> -> memref<2048x1024xf32, #tpu.memory_space<hbm>>
    tpu.enqueue_indirect_dma source(%dma_start3A_26 : memref<2048x1024xf32, #tpu.memory_space<hbm>>) target(%arg12 : memref<40x1024xf32, #tpu.memory_space<vmem>>) offsets(%arg11 : memref<40xi32, #tpu.memory_space<vmem>>) semaphore(%arg14 : memref<!tpu.dma_semaphore, #tpu.memory_space<semaphore_mem>>)
    %dma_wait3A_27 = arith.constant 0 : i32
    %dma_wait3A_28 = arith.constant 0 : i32
    %dma_wait3A_29 = tpu.memref_slice %arg4[%dma_wait3A_27, %dma_wait3A_28] : memref<2048x1024xf32, #tpu.memory_space<hbm>> -> memref<2048x1024xf32, #tpu.memory_space<hbm>>
    tpu.wait_indirect_dma semaphore(%arg13 : memref<!tpu.dma_semaphore, #tpu.memory_space<semaphore_mem>>) src(%dma_wait3A_29 : memref<2048x1024xf32, #tpu.memory_space<hbm>>) dst(%arg10 : memref<40x1024xf32, #tpu.memory_space<vmem>>)
    "tpu.region"() ({
      %run_scoped3A = tpu.sem_alloc : memref<!tpu.dma_semaphore, #tpu.memory_space<semaphore_mem>>
      %dma_start3A_49 = arith.constant 0 : i32
      %dma_start3A_50 = tpu.memref_slice %arg7[%add3A_15, %dma_start3A_49] : memref<2560x1024xf32, #tpu.memory_space<hbm>> -> memref<40x1024xf32, #tpu.memory_space<hbm>>
      %dma_start3A_51 = arith.constant 0 : i32
      %dma_start3A_52 = tpu.memref_slice %arg7[%add3A_15, %dma_start3A_51] : memref<2560x1024xf32, #tpu.memory_space<hbm>> -> memref<40x1024xf32, #tpu.memory_space<hbm>>
      tpu.enqueue_dma source(%arg10 : memref<40x1024xf32, #tpu.memory_space<vmem>>) target(%dma_start3A_52 : memref<40x1024xf32, #tpu.memory_space<hbm>>) target_semaphore(%run_scoped3A : memref<!tpu.dma_semaphore, #tpu.memory_space<semaphore_mem>>)
      %dma_wait3A_53 = arith.constant 0 : i32
      %dma_wait3A_54 = tpu.memref_slice %arg7[%add3A_15, %dma_wait3A_53] : memref<2560x1024xf32, #tpu.memory_space<hbm>> -> memref<40x1024xf32, #tpu.memory_space<hbm>>
      %dma_wait3A_55 = arith.constant 0 : i32
      %dma_wait3A_56 = tpu.memref_slice %arg7[%add3A_15, %dma_wait3A_55] : memref<2560x1024xf32, #tpu.memory_space<hbm>> -> memref<40x1024xf32, #tpu.memory_space<hbm>>
      tpu.wait_dma2 semaphore(%run_scoped3A : memref<!tpu.dma_semaphore, #tpu.memory_space<semaphore_mem>>) src(%arg10 : memref<40x1024xf32, #tpu.memory_space<vmem>>) dst(%dma_wait3A_56 : memref<40x1024xf32, #tpu.memory_space<hbm>>)
      tpu.yield
    }) : () -> ()
    %add3A_30 = arith.constant 0 : i32
    %add3A_31 = arith.addi %mul3A_2, %add3A_30 : i32
    "tpu.region"() ({
      %run_scoped3A = tpu.sem_alloc : memref<!tpu.dma_semaphore, #tpu.memory_space<semaphore_mem>>
      %dma_start3A_49 = tpu.memref_slice %arg2[%add3A_31] : memref<2560xi32, #tpu.memory_space<hbm>> -> memref<40xi32, #tpu.memory_space<hbm>>
      %dma_start3A_50 = tpu.memref_slice %arg2[%add3A_31] : memref<2560xi32, #tpu.memory_space<hbm>> -> memref<40xi32, #tpu.memory_space<hbm>>
      tpu.enqueue_dma source(%dma_start3A_50 : memref<40xi32, #tpu.memory_space<hbm>>) target(%arg9 : memref<40xi32, #tpu.memory_space<vmem>>) target_semaphore(%run_scoped3A : memref<!tpu.dma_semaphore, #tpu.memory_space<semaphore_mem>>)
      %dma_wait3A_51 = tpu.memref_slice %arg2[%add3A_31] : memref<2560xi32, #tpu.memory_space<hbm>> -> memref<40xi32, #tpu.memory_space<hbm>>
      %dma_wait3A_52 = tpu.memref_slice %arg2[%add3A_31] : memref<2560xi32, #tpu.memory_space<hbm>> -> memref<40xi32, #tpu.memory_space<hbm>>
      tpu.wait_dma2 semaphore(%run_scoped3A : memref<!tpu.dma_semaphore, #tpu.memory_space<semaphore_mem>>) src(%dma_wait3A_52 : memref<40xi32, #tpu.memory_space<hbm>>) dst(%arg9 : memref<40xi32, #tpu.memory_space<vmem>>)
      tpu.yield
    }) : () -> ()
    %dma_start3A_32 = arith.constant 0 : i32
    %dma_start3A_33 = arith.constant 0 : i32
    %dma_start3A_34 = tpu.memref_slice %arg5[%dma_start3A_32, %dma_start3A_33] : memref<2048x1024xf32, #tpu.memory_space<hbm>> -> memref<2048x1024xf32, #tpu.memory_space<hbm>>
    tpu.enqueue_indirect_dma source(%dma_start3A_34 : memref<2048x1024xf32, #tpu.memory_space<hbm>>) target(%arg10 : memref<40x1024xf32, #tpu.memory_space<vmem>>) offsets(%arg9 : memref<40xi32, #tpu.memory_space<vmem>>) semaphore(%arg13 : memref<!tpu.dma_semaphore, #tpu.memory_space<semaphore_mem>>)
    %dma_wait3A_35 = arith.constant 0 : i32
    %dma_wait3A_36 = arith.constant 0 : i32
    %dma_wait3A_37 = tpu.memref_slice %arg4[%dma_wait3A_35, %dma_wait3A_36] : memref<2048x1024xf32, #tpu.memory_space<hbm>> -> memref<2048x1024xf32, #tpu.memory_space<hbm>>
    tpu.wait_indirect_dma semaphore(%arg14 : memref<!tpu.dma_semaphore, #tpu.memory_space<semaphore_mem>>) src(%dma_wait3A_37 : memref<2048x1024xf32, #tpu.memory_space<hbm>>) dst(%arg12 : memref<40x1024xf32, #tpu.memory_space<vmem>>)
    "tpu.region"() ({
      %run_scoped3A = tpu.sem_alloc : memref<!tpu.dma_semaphore, #tpu.memory_space<semaphore_mem>>
      %dma_start3A_49 = arith.constant 0 : i32
      %dma_start3A_50 = tpu.memref_slice %arg7[%add3A_23, %dma_start3A_49] : memref<2560x1024xf32, #tpu.memory_space<hbm>> -> memref<40x1024xf32, #tpu.memory_space<hbm>>
      %dma_start3A_51 = arith.constant 0 : i32
      %dma_start3A_52 = tpu.memref_slice %arg7[%add3A_23, %dma_start3A_51] : memref<2560x1024xf32, #tpu.memory_space<hbm>> -> memref<40x1024xf32, #tpu.memory_space<hbm>>
      tpu.enqueue_dma source(%arg12 : memref<40x1024xf32, #tpu.memory_space<vmem>>) target(%dma_start3A_52 : memref<40x1024xf32, #tpu.memory_space<hbm>>) target_semaphore(%run_scoped3A : memref<!tpu.dma_semaphore, #tpu.memory_space<semaphore_mem>>)
      %dma_wait3A_53 = arith.constant 0 : i32
      %dma_wait3A_54 = tpu.memref_slice %arg7[%add3A_23, %dma_wait3A_53] : memref<2560x1024xf32, #tpu.memory_space<hbm>> -> memref<40x1024xf32, #tpu.memory_space<hbm>>
      %dma_wait3A_55 = arith.constant 0 : i32
      %dma_wait3A_56 = tpu.memref_slice %arg7[%add3A_23, %dma_wait3A_55] : memref<2560x1024xf32, #tpu.memory_space<hbm>> -> memref<40x1024xf32, #tpu.memory_space<hbm>>
      tpu.wait_dma2 semaphore(%run_scoped3A : memref<!tpu.dma_semaphore, #tpu.memory_space<semaphore_mem>>) src(%arg12 : memref<40x1024xf32, #tpu.memory_space<vmem>>) dst(%dma_wait3A_56 : memref<40x1024xf32, #tpu.memory_space<hbm>>)
      tpu.yield
    }) : () -> ()
    %add3A_38 = arith.constant 40 : i32
    %add3A_39 = arith.addi %mul3A_2, %add3A_38 : i32
    "tpu.region"() ({
      %run_scoped3A = tpu.sem_alloc : memref<!tpu.dma_semaphore, #tpu.memory_space<semaphore_mem>>
      %dma_start3A_49 = tpu.memref_slice %arg2[%add3A_39] : memref<2560xi32, #tpu.memory_space<hbm>> -> memref<40xi32, #tpu.memory_space<hbm>>
      %dma_start3A_50 = tpu.memref_slice %arg2[%add3A_39] : memref<2560xi32, #tpu.memory_space<hbm>> -> memref<40xi32, #tpu.memory_space<hbm>>
      tpu.enqueue_dma source(%dma_start3A_50 : memref<40xi32, #tpu.memory_space<hbm>>) target(%arg11 : memref<40xi32, #tpu.memory_space<vmem>>) target_semaphore(%run_scoped3A : memref<!tpu.dma_semaphore, #tpu.memory_space<semaphore_mem>>)
      %dma_wait3A_51 = tpu.memref_slice %arg2[%add3A_39] : memref<2560xi32, #tpu.memory_space<hbm>> -> memref<40xi32, #tpu.memory_space<hbm>>
      %dma_wait3A_52 = tpu.memref_slice %arg2[%add3A_39] : memref<2560xi32, #tpu.memory_space<hbm>> -> memref<40xi32, #tpu.memory_space<hbm>>
      tpu.wait_dma2 semaphore(%run_scoped3A : memref<!tpu.dma_semaphore, #tpu.memory_space<semaphore_mem>>) src(%dma_wait3A_52 : memref<40xi32, #tpu.memory_space<hbm>>) dst(%arg11 : memref<40xi32, #tpu.memory_space<vmem>>)
      tpu.yield
    }) : () -> ()
    %dma_start3A_40 = arith.constant 0 : i32
    %dma_start3A_41 = arith.constant 0 : i32
    %dma_start3A_42 = tpu.memref_slice %arg5[%dma_start3A_40, %dma_start3A_41] : memref<2048x1024xf32, #tpu.memory_space<hbm>> -> memref<2048x1024xf32, #tpu.memory_space<hbm>>
    tpu.enqueue_indirect_dma source(%dma_start3A_42 : memref<2048x1024xf32, #tpu.memory_space<hbm>>) target(%arg12 : memref<40x1024xf32, #tpu.memory_space<vmem>>) offsets(%arg11 : memref<40xi32, #tpu.memory_space<vmem>>) semaphore(%arg14 : memref<!tpu.dma_semaphore, #tpu.memory_space<semaphore_mem>>)
    %dma_wait3A_43 = arith.constant 0 : i32
    %dma_wait3A_44 = arith.constant 0 : i32
    %dma_wait3A_45 = tpu.memref_slice %arg5[%dma_wait3A_43, %dma_wait3A_44] : memref<2048x1024xf32, #tpu.memory_space<hbm>> -> memref<2048x1024xf32, #tpu.memory_space<hbm>>
    tpu.wait_indirect_dma semaphore(%arg13 : memref<!tpu.dma_semaphore, #tpu.memory_space<semaphore_mem>>) src(%dma_wait3A_45 : memref<2048x1024xf32, #tpu.memory_space<hbm>>) dst(%arg10 : memref<40x1024xf32, #tpu.memory_space<vmem>>)
    "tpu.region"() ({
      %run_scoped3A = tpu.sem_alloc : memref<!tpu.dma_semaphore, #tpu.memory_space<semaphore_mem>>
      %dma_start3A_49 = arith.constant 0 : i32
      %dma_start3A_50 = tpu.memref_slice %arg8[%add3A_31, %dma_start3A_49] : memref<2560x1024xf32, #tpu.memory_space<hbm>> -> memref<40x1024xf32, #tpu.memory_space<hbm>>
      %dma_start3A_51 = arith.constant 0 : i32
      %dma_start3A_52 = tpu.memref_slice %arg8[%add3A_31, %dma_start3A_51] : memref<2560x1024xf32, #tpu.memory_space<hbm>> -> memref<40x1024xf32, #tpu.memory_space<hbm>>
      tpu.enqueue_dma source(%arg10 : memref<40x1024xf32, #tpu.memory_space<vmem>>) target(%dma_start3A_52 : memref<40x1024xf32, #tpu.memory_space<hbm>>) target_semaphore(%run_scoped3A : memref<!tpu.dma_semaphore, #tpu.memory_space<semaphore_mem>>)
      %dma_wait3A_53 = arith.constant 0 : i32
      %dma_wait3A_54 = tpu.memref_slice %arg8[%add3A_31, %dma_wait3A_53] : memref<2560x1024xf32, #tpu.memory_space<hbm>> -> memref<40x1024xf32, #tpu.memory_space<hbm>>
      %dma_wait3A_55 = arith.constant 0 : i32
      %dma_wait3A_56 = tpu.memref_slice %arg8[%add3A_31, %dma_wait3A_55] : memref<2560x1024xf32, #tpu.memory_space<hbm>> -> memref<40x1024xf32, #tpu.memory_space<hbm>>
      tpu.wait_dma2 semaphore(%run_scoped3A : memref<!tpu.dma_semaphore, #tpu.memory_space<semaphore_mem>>) src(%arg10 : memref<40x1024xf32, #tpu.memory_space<vmem>>) dst(%dma_wait3A_56 : memref<40x1024xf32, #tpu.memory_space<hbm>>)
      tpu.yield
    }) : () -> ()
    %dma_wait3A_46 = arith.constant 0 : i32
    %dma_wait3A_47 = arith.constant 0 : i32
    %dma_wait3A_48 = tpu.memref_slice %arg5[%dma_wait3A_46, %dma_wait3A_47] : memref<2048x1024xf32, #tpu.memory_space<hbm>> -> memref<2048x1024xf32, #tpu.memory_space<hbm>>
    tpu.wait_indirect_dma semaphore(%arg14 : memref<!tpu.dma_semaphore, #tpu.memory_space<semaphore_mem>>) src(%dma_wait3A_48 : memref<2048x1024xf32, #tpu.memory_space<hbm>>) dst(%arg12 : memref<40x1024xf32, #tpu.memory_space<vmem>>)
    "tpu.region"() ({
      %run_scoped3A = tpu.sem_alloc : memref<!tpu.dma_semaphore, #tpu.memory_space<semaphore_mem>>
      %dma_start3A_49 = arith.constant 0 : i32
      %dma_start3A_50 = tpu.memref_slice %arg8[%add3A_39, %dma_start3A_49] : memref<2560x1024xf32, #tpu.memory_space<hbm>> -> memref<40x1024xf32, #tpu.memory_space<hbm>>
      %dma_start3A_51 = arith.constant 0 : i32
      %dma_start3A_52 = tpu.memref_slice %arg8[%add3A_39, %dma_start3A_51] : memref<2560x1024xf32, #tpu.memory_space<hbm>> -> memref<40x1024xf32, #tpu.memory_space<hbm>>
      tpu.enqueue_dma source(%arg12 : memref<40x1024xf32, #tpu.memory_space<vmem>>) target(%dma_start3A_52 : memref<40x1024xf32, #tpu.memory_space<hbm>>) target_semaphore(%run_scoped3A : memref<!tpu.dma_semaphore, #tpu.memory_space<semaphore_mem>>)
      %dma_wait3A_53 = arith.constant 0 : i32
      %dma_wait3A_54 = tpu.memref_slice %arg8[%add3A_39, %dma_wait3A_53] : memref<2560x1024xf32, #tpu.memory_space<hbm>> -> memref<40x1024xf32, #tpu.memory_space<hbm>>
      %dma_wait3A_55 = arith.constant 0 : i32
      %dma_wait3A_56 = tpu.memref_slice %arg8[%add3A_39, %dma_wait3A_55] : memref<2560x1024xf32, #tpu.memory_space<hbm>> -> memref<40x1024xf32, #tpu.memory_space<hbm>>
      tpu.wait_dma2 semaphore(%run_scoped3A : memref<!tpu.dma_semaphore, #tpu.memory_space<semaphore_mem>>) src(%arg12 : memref<40x1024xf32, #tpu.memory_space<vmem>>) dst(%dma_wait3A_56 : memref<40x1024xf32, #tpu.memory_space<hbm>>)
      tpu.yield
    }) : () -> ()
    return
  }
}

module attributes {stable_mosaic.version = 14 : i64} {
  func.func @_router_kernel(%arg0: i32, %arg1: memref<256x1024xf32, #tpu.memory_space<vmem>>, %arg2: memref<1024x512xf32, #tpu.memory_space<vmem>>, %arg3: memref<1x512xf32, #tpu.memory_space<vmem>>, %arg4: memref<512x128xf32, #tpu.memory_space<vmem>>, %arg5: memref<1x128xf32, #tpu.memory_space<vmem>>, %arg6: memref<256x128xf32, #tpu.memory_space<vmem>>) attributes {dimension_semantics = [#tpu.dimension_semantics<arbitrary>], iteration_bounds = array<i64: 8>, scalar_prefetch = 0 : i64, scratch_operands = 0 : i64, tpu.core_type = #tpu.core_type<tc>, window_params = [{transform_indices = @transform_0, window_bounds = array<i64: 256, 1024>}, {pipeline_mode = #tpu.pipeline_mode<synchronous>, transform_indices = @transform_1, window_bounds = array<i64: 1024, 512>}, {pipeline_mode = #tpu.pipeline_mode<synchronous>, transform_indices = @transform_2, window_bounds = array<i64: 1, 512>}, {pipeline_mode = #tpu.pipeline_mode<synchronous>, transform_indices = @transform_3, window_bounds = array<i64: 512, 128>}, {pipeline_mode = #tpu.pipeline_mode<synchronous>, transform_indices = @transform_4, window_bounds = array<i64: 1, 128>}, {transform_indices = @transform_5, window_bounds = array<i64: 256, 128>}]} {
    %get3A = arith.constant 0 : index
    %get3A_0 = arith.constant 0 : index
    %get3A_1 = vector.load %arg1[%get3A, %get3A_0] : memref<256x1024xf32, #tpu.memory_space<vmem>>, vector<256x1024xf32>
    %get3A_2 = arith.constant 0 : index
    %get3A_3 = arith.constant 0 : index
    %get3A_4 = vector.load %arg2[%get3A_2, %get3A_3] : memref<1024x512xf32, #tpu.memory_space<vmem>>, vector<1024x512xf32>
    %dot_general3A = arith.constant dense<0.000000e+00> : vector<256x512xf32>
    %dot_general3A_5 = tpu.matmul %get3A_1, %get3A_4, %dot_general3A {dimension_numbers = #tpu.dot_dimension_numbers<[1], [0], [0], [1], [0, 0, 1, 1], [], []>, transpose_lhs_hint = false} : vector<256x1024xf32>, vector<1024x512xf32>, vector<256x512xf32> -> vector<256x512xf32>
    %get3A_6 = arith.constant 0 : index
    %get3A_7 = arith.constant 0 : index
    %get3A_8 = vector.load %arg3[%get3A_6, %get3A_7] : memref<1x512xf32, #tpu.memory_space<vmem>>, vector<1x512xf32>
    %add3A = vector.broadcast %get3A_8 : vector<1x512xf32> to vector<256x512xf32>
    %add3A_9 = arith.addf %dot_general3A_5, %add3A : vector<256x512xf32>
    %integer_pow3A = arith.mulf %add3A_9, %add3A_9 : vector<256x512xf32>
    %integer_pow3A_10 = arith.mulf %add3A_9, %integer_pow3A : vector<256x512xf32>
    %mul3A = arith.constant 4.471500e-02 : f32
    %mul3A_11 = vector.broadcast %mul3A : f32 to vector<256x512xf32>
    %mul3A_12 = arith.mulf %mul3A_11, %integer_pow3A_10 : vector<256x512xf32>
    %add3A_13 = arith.addf %add3A_9, %mul3A_12 : vector<256x512xf32>
    %mul3A_14 = arith.constant 0.797884583 : f32
    %mul3A_15 = vector.broadcast %mul3A_14 : f32 to vector<256x512xf32>
    %mul3A_16 = arith.mulf %mul3A_15, %add3A_13 : vector<256x512xf32>
    %tanh3A = math.tanh %mul3A_16 : vector<256x512xf32>
    %add3A_17 = arith.constant 1.000000e+00 : f32
    %add3A_18 = vector.broadcast %add3A_17 : f32 to vector<256x512xf32>
    %add3A_19 = arith.addf %add3A_18, %tanh3A : vector<256x512xf32>
    %mul3A_20 = arith.constant 5.000000e-01 : f32
    %mul3A_21 = vector.broadcast %mul3A_20 : f32 to vector<256x512xf32>
    %mul3A_22 = arith.mulf %mul3A_21, %add3A_19 : vector<256x512xf32>
    %mul3A_23 = arith.mulf %add3A_9, %mul3A_22 : vector<256x512xf32>
    %get3A_24 = arith.constant 0 : index
    %get3A_25 = arith.constant 0 : index
    %get3A_26 = vector.load %arg4[%get3A_24, %get3A_25] : memref<512x128xf32, #tpu.memory_space<vmem>>, vector<512x128xf32>
    %dot_general3A_27 = arith.constant dense<0.000000e+00> : vector<256x128xf32>
    %dot_general3A_28 = tpu.matmul %mul3A_23, %get3A_26, %dot_general3A_27 {dimension_numbers = #tpu.dot_dimension_numbers<[1], [0], [0], [1], [0, 0, 1, 1], [], []>, transpose_lhs_hint = false} : vector<256x512xf32>, vector<512x128xf32>, vector<256x128xf32> -> vector<256x128xf32>
    %get3A_29 = arith.constant 0 : index
    %get3A_30 = arith.constant 0 : index
    %get3A_31 = vector.load %arg5[%get3A_29, %get3A_30] : memref<1x128xf32, #tpu.memory_space<vmem>>, vector<1x128xf32>
    %add3A_32 = vector.broadcast %get3A_31 : vector<1x128xf32> to vector<256x128xf32>
    %add3A_33 = arith.addf %dot_general3A_28, %add3A_32 : vector<256x128xf32>
    %swap3A = arith.constant 0 : index
    %swap3A_34 = arith.constant 0 : index
    %swap3A_35 = vector.load %arg6[%swap3A, %swap3A_34] : memref<256x128xf32, #tpu.memory_space<vmem>>, vector<256x128xf32>
    tpu.vector_store %arg6[%swap3A, %swap3A_34], %add3A_33 {strides = array<i32>} : memref<256x128xf32, #tpu.memory_space<vmem>>, vector<256x128xf32>,
    return
  }
  func.func @transform_0(%arg0: i32) -> (i32, i32) {
    %c0_i32 = arith.constant 0 : i32
    %c0_i32_0 = arith.constant 0 : i32
    return %arg0, %c0_i32 : i32, i32
  }
  func.func @transform_1(%arg0: i32) -> (i32, i32) {
    %c0_i32 = arith.constant 0 : i32
    %c0_i32_0 = arith.constant 0 : i32
    %c0_i32_1 = arith.constant 0 : i32
    return %c0_i32, %c0_i32_0 : i32, i32
  }
  func.func @transform_2(%arg0: i32) -> (i32, i32) {
    %c0_i32 = arith.constant 0 : i32
    %c0_i32_0 = arith.constant 0 : i32
    %c0_i32_1 = arith.constant 0 : i32
    return %c0_i32, %c0_i32_0 : i32, i32
  }
  func.func @transform_3(%arg0: i32) -> (i32, i32) {
    %c0_i32 = arith.constant 0 : i32
    %c0_i32_0 = arith.constant 0 : i32
    %c0_i32_1 = arith.constant 0 : i32
    return %c0_i32, %c0_i32_0 : i32, i32
  }
  func.func @transform_4(%arg0: i32) -> (i32, i32) {
    %c0_i32 = arith.constant 0 : i32
    %c0_i32_0 = arith.constant 0 : i32
    %c0_i32_1 = arith.constant 0 : i32
    return %c0_i32, %c0_i32_0 : i32, i32
  }
  func.func @transform_5(%arg0: i32) -> (i32, i32) {
    %c0_i32 = arith.constant 0 : i32
    %c0_i32_0 = arith.constant 0 : i32
    return %arg0, %c0_i32 : i32, i32
  }
}

module attributes {stable_mosaic.version = 14 : i64} {
  func.func @_qkv_kernel(%arg0: i32, %arg1: i32, %arg2: memref<256x1024xf32, #tpu.memory_space<vmem>>, %arg3: memref<1024x512xf32, #tpu.memory_space<vmem>>, %arg4: memref<1024x512xf32, #tpu.memory_space<vmem>>, %arg5: memref<1024x512xf32, #tpu.memory_space<vmem>>, %arg6: memref<256x512xf32, #tpu.memory_space<vmem>>, %arg7: memref<256x512xf32, #tpu.memory_space<vmem>>, %arg8: memref<256x512xf32, #tpu.memory_space<vmem>>) attributes {dimension_semantics = [#tpu.dimension_semantics<arbitrary>, #tpu.dimension_semantics<arbitrary>], iteration_bounds = array<i64: 8, 2>, scalar_prefetch = 0 : i64, scratch_operands = 0 : i64, tpu.core_type = #tpu.core_type<tc>, window_params = [{transform_indices = @transform_0, window_bounds = array<i64: 256, 1024>}, {transform_indices = @transform_1, window_bounds = array<i64: 1024, 512>}, {transform_indices = @transform_2, window_bounds = array<i64: 1024, 512>}, {transform_indices = @transform_3, window_bounds = array<i64: 1024, 512>}, {transform_indices = @transform_4, window_bounds = array<i64: 256, 512>}, {transform_indices = @transform_5, window_bounds = array<i64: 256, 512>}, {transform_indices = @transform_6, window_bounds = array<i64: 256, 512>}]} {
    %get3A = arith.constant 0 : index
    %get3A_0 = arith.constant 0 : index
    %get3A_1 = vector.load %arg2[%get3A, %get3A_0] : memref<256x1024xf32, #tpu.memory_space<vmem>>, vector<256x1024xf32>
    %convert_element_type3A = arith.truncf %get3A_1 : vector<256x1024xf32> to vector<256x1024xbf16>
    %get3A_2 = arith.constant 0 : index
    %get3A_3 = arith.constant 0 : index
    %get3A_4 = vector.load %arg3[%get3A_2, %get3A_3] : memref<1024x512xf32, #tpu.memory_space<vmem>>, vector<1024x512xf32>
    %convert_element_type3A_5 = arith.truncf %get3A_4 : vector<1024x512xf32> to vector<1024x512xbf16>
    %dot_general3A = arith.constant dense<0.000000e+00> : vector<256x512xf32>
    %dot_general3A_6 = tpu.matmul %convert_element_type3A, %convert_element_type3A_5, %dot_general3A {dimension_numbers = #tpu.dot_dimension_numbers<[1], [0], [0], [1], [0, 0, 1, 1], [], []>, transpose_lhs_hint = false} : vector<256x1024xbf16>, vector<1024x512xbf16>, vector<256x512xf32> -> vector<256x512xf32>
    %swap3A = arith.constant 0 : index
    %swap3A_7 = arith.constant 0 : index
    %swap3A_8 = vector.load %arg6[%swap3A, %swap3A_7] : memref<256x512xf32, #tpu.memory_space<vmem>>, vector<256x512xf32>
    tpu.vector_store %arg6[%swap3A, %swap3A_7], %dot_general3A_6 {strides = array<i32>} : memref<256x512xf32, #tpu.memory_space<vmem>>, vector<256x512xf32>,
    %get3A_9 = arith.constant 0 : index
    %get3A_10 = arith.constant 0 : index
    %get3A_11 = vector.load %arg4[%get3A_9, %get3A_10] : memref<1024x512xf32, #tpu.memory_space<vmem>>, vector<1024x512xf32>
    %convert_element_type3A_12 = arith.truncf %get3A_11 : vector<1024x512xf32> to vector<1024x512xbf16>
    %dot_general3A_13 = arith.constant dense<0.000000e+00> : vector<256x512xf32>
    %dot_general3A_14 = tpu.matmul %convert_element_type3A, %convert_element_type3A_12, %dot_general3A_13 {dimension_numbers = #tpu.dot_dimension_numbers<[1], [0], [0], [1], [0, 0, 1, 1], [], []>, transpose_lhs_hint = false} : vector<256x1024xbf16>, vector<1024x512xbf16>, vector<256x512xf32> -> vector<256x512xf32>
    %swap3A_15 = arith.constant 0 : index
    %swap3A_16 = arith.constant 0 : index
    %swap3A_17 = vector.load %arg7[%swap3A_15, %swap3A_16] : memref<256x512xf32, #tpu.memory_space<vmem>>, vector<256x512xf32>
    tpu.vector_store %arg7[%swap3A_15, %swap3A_16], %dot_general3A_14 {strides = array<i32>} : memref<256x512xf32, #tpu.memory_space<vmem>>, vector<256x512xf32>,
    %get3A_18 = arith.constant 0 : index
    %get3A_19 = arith.constant 0 : index
    %get3A_20 = vector.load %arg5[%get3A_18, %get3A_19] : memref<1024x512xf32, #tpu.memory_space<vmem>>, vector<1024x512xf32>
    %convert_element_type3A_21 = arith.truncf %get3A_20 : vector<1024x512xf32> to vector<1024x512xbf16>
    %dot_general3A_22 = arith.constant dense<0.000000e+00> : vector<256x512xf32>
    %dot_general3A_23 = tpu.matmul %convert_element_type3A, %convert_element_type3A_21, %dot_general3A_22 {dimension_numbers = #tpu.dot_dimension_numbers<[1], [0], [0], [1], [0, 0, 1, 1], [], []>, transpose_lhs_hint = false} : vector<256x1024xbf16>, vector<1024x512xbf16>, vector<256x512xf32> -> vector<256x512xf32>
    %swap3A_24 = arith.constant 0 : index
    %swap3A_25 = arith.constant 0 : index
    %swap3A_26 = vector.load %arg8[%swap3A_24, %swap3A_25] : memref<256x512xf32, #tpu.memory_space<vmem>>, vector<256x512xf32>
    tpu.vector_store %arg8[%swap3A_24, %swap3A_25], %dot_general3A_23 {strides = array<i32>} : memref<256x512xf32, #tpu.memory_space<vmem>>, vector<256x512xf32>,
    return
  }
  func.func @transform_0(%arg0: i32, %arg1: i32) -> (i32, i32) {
    %c0_i32 = arith.constant 0 : i32
    %c0_i32_0 = arith.constant 0 : i32
    return %arg0, %c0_i32 : i32, i32
  }
  func.func @transform_1(%arg0: i32, %arg1: i32) -> (i32, i32) {
    %c0_i32 = arith.constant 0 : i32
    %c0_i32_0 = arith.constant 0 : i32
    return %c0_i32, %arg1 : i32, i32
  }
  func.func @transform_2(%arg0: i32, %arg1: i32) -> (i32, i32) {
    %c0_i32 = arith.constant 0 : i32
    %c0_i32_0 = arith.constant 0 : i32
    return %c0_i32, %arg1 : i32, i32
  }
  func.func @transform_3(%arg0: i32, %arg1: i32) -> (i32, i32) {
    %c0_i32 = arith.constant 0 : i32
    %c0_i32_0 = arith.constant 0 : i32
    return %c0_i32, %arg1 : i32, i32
  }
  func.func @transform_4(%arg0: i32, %arg1: i32) -> (i32, i32) {
    %c0_i32 = arith.constant 0 : i32
    return %arg0, %arg1 : i32, i32
  }
  func.func @transform_5(%arg0: i32, %arg1: i32) -> (i32, i32) {
    %c0_i32 = arith.constant 0 : i32
    return %arg0, %arg1 : i32, i32
  }
  func.func @transform_6(%arg0: i32, %arg1: i32) -> (i32, i32) {
    %c0_i32 = arith.constant 0 : i32
    return %arg0, %arg1 : i32, i32
  }
}

module attributes {stable_mosaic.version = 14 : i64} {
  func.func @_kprep_kernel(%arg0: i32, %arg1: memref<1x5120x64xf32, #tpu.memory_space<vmem>>, %arg2: memref<5120x64xf32, #tpu.memory_space<vmem>>, %arg3: memref<5120x64xf32, #tpu.memory_space<vmem>>, %arg4: memref<1x5120x64xf32, #tpu.memory_space<vmem>>, %arg5: memref<1x1x1xf32, #tpu.memory_space<smem>>) attributes {dimension_semantics = [#tpu.dimension_semantics<arbitrary>], iteration_bounds = array<i64: 8>, scalar_prefetch = 0 : i64, scratch_operands = 0 : i64, tpu.core_type = #tpu.core_type<tc>, window_params = [{transform_indices = @transform_0, window_bounds = array<i64: 1, 5120, 64>}, {pipeline_mode = #tpu.pipeline_mode<synchronous>, transform_indices = @transform_1, window_bounds = array<i64: 5120, 64>}, {pipeline_mode = #tpu.pipeline_mode<synchronous>, transform_indices = @transform_2, window_bounds = array<i64: 5120, 64>}, {transform_indices = @transform_3, window_bounds = array<i64: 1, 5120, 64>}, {transform_indices = @transform_4, window_bounds = array<i64: 1, 1, 1>}]} {
    %get3A = arith.constant 0 : index
    %get3A_0 = arith.constant 0 : index
    %get3A_1 = arith.constant 0 : index
    %get3A_2 = vector.load %arg1[%get3A, %get3A_0, %get3A_1] : memref<1x5120x64xf32, #tpu.memory_space<vmem>>, vector<1x5120x64xf32>
    %get3A_3 = vector.shape_cast %get3A_2 : vector<1x5120x64xf32> to vector<5120x64xf32>
    %mul3A = arith.mulf %get3A_3, %get3A_3 : vector<5120x64xf32>
    %reduce_sum3A = arith.constant dense<0.000000e+00> : vector<5120xf32>
    %reduce_sum3A_4 = vector.multi_reduction <add>, %mul3A, %reduce_sum3A [1] : vector<5120x64xf32> to vector<5120xf32>
    %reduce_max3A = vector.shape_cast %reduce_sum3A_4 : vector<5120xf32> to vector<1x5120xf32>
    %reduce_max3A_5 = arith.constant dense<0xFF800000> : vector<1xf32>
    %reduce_max3A_6 = vector.multi_reduction <maximumf>, %reduce_max3A, %reduce_max3A_5 [1] : vector<1x5120xf32> to vector<1xf32>
    %reduce_max3A_7 = vector.shape_cast %reduce_max3A_6 : vector<1xf32> to vector<1x1xf32>
    %reduce_max3A_8 = vector.extract %reduce_max3A_7[0, 0] : f32 from vector<1x1xf32>
    %swap3A = arith.constant 0 : index
    %swap3A_9 = arith.constant 0 : index
    %swap3A_10 = arith.constant 0 : index
    %swap3A_11 = memref.load %arg5[%swap3A, %swap3A_9, %swap3A_10] : memref<1x1x1xf32, #tpu.memory_space<smem>>
    memref.store %reduce_max3A_8, %arg5[%swap3A, %swap3A_9, %swap3A_10] : memref<1x1x1xf32, #tpu.memory_space<smem>>
    %get3A_12 = arith.constant 0 : index
    %get3A_13 = arith.constant 0 : index
    %get3A_14 = vector.load %arg2[%get3A_12, %get3A_13] : memref<5120x64xf32, #tpu.memory_space<vmem>>, vector<5120x64xf32>
    %get3A_15 = arith.constant 0 : index
    %get3A_16 = arith.constant 0 : index
    %get3A_17 = vector.load %arg3[%get3A_15, %get3A_16] : memref<5120x64xf32, #tpu.memory_space<vmem>>, vector<5120x64xf32>
    %slice3A = vector.extract_strided_slice %get3A_3 {offsets = [0, 32], sizes = [5120, 32], strides = [1, 1]} : vector<5120x64xf32> to vector<5120x32xf32>
    %neg3A = arith.constant 0.000000e+00 : f32
    %neg3A_18 = vector.broadcast %neg3A : f32 to vector<5120x32xf32>
    %neg3A_19 = arith.subf %neg3A_18, %slice3A : vector<5120x32xf32>
    %slice3A_20 = vector.extract_strided_slice %get3A_3 {offsets = [0, 0], sizes = [5120, 32], strides = [1, 1]} : vector<5120x64xf32> to vector<5120x32xf32>
    %concatenate3A = tpu.concatenate %neg3A_19, %slice3A_20 in 1 : vector<5120x32xf32>, vector<5120x32xf32> -> vector<5120x64xf32>
    %mul3A_21 = arith.mulf %get3A_3, %get3A_14 : vector<5120x64xf32>
    %mul3A_22 = arith.mulf %concatenate3A, %get3A_17 : vector<5120x64xf32>
    %add3A = arith.addf %mul3A_21, %mul3A_22 : vector<5120x64xf32>
    %swap3A_23 = arith.constant 0 : index
    %swap3A_24 = arith.constant 0 : index
    %swap3A_25 = arith.constant 0 : index
    %swap3A_26 = vector.load %arg4[%swap3A_23, %swap3A_24, %swap3A_25] : memref<1x5120x64xf32, #tpu.memory_space<vmem>>, vector<1x5120x64xf32>
    %swap3A_27 = vector.shape_cast %swap3A_26 : vector<1x5120x64xf32> to vector<5120x64xf32>
    %swap3A_28 = vector.shape_cast %add3A : vector<5120x64xf32> to vector<1x5120x64xf32>
    tpu.vector_store %arg4[%swap3A_23, %swap3A_24, %swap3A_25], %swap3A_28 {strides = array<i32>} : memref<1x5120x64xf32, #tpu.memory_space<vmem>>, vector<1x5120x64xf32>,
    return
  }
  func.func @transform_0(%arg0: i32) -> (i32, i32, i32) {
    %c0_i32 = arith.constant 0 : i32
    %c0_i32_0 = arith.constant 0 : i32
    %c0_i32_1 = arith.constant 0 : i32
    return %arg0, %c0_i32, %c0_i32_0 : i32, i32, i32
  }
  func.func @transform_1(%arg0: i32) -> (i32, i32) {
    %c0_i32 = arith.constant 0 : i32
    %c0_i32_0 = arith.constant 0 : i32
    %c0_i32_1 = arith.constant 0 : i32
    return %c0_i32, %c0_i32_0 : i32, i32
  }
  func.func @transform_2(%arg0: i32) -> (i32, i32) {
    %c0_i32 = arith.constant 0 : i32
    %c0_i32_0 = arith.constant 0 : i32
    %c0_i32_1 = arith.constant 0 : i32
    return %c0_i32, %c0_i32_0 : i32, i32
  }
  func.func @transform_3(%arg0: i32) -> (i32, i32, i32) {
    %c0_i32 = arith.constant 0 : i32
    %c0_i32_0 = arith.constant 0 : i32
    %c0_i32_1 = arith.constant 0 : i32
    return %arg0, %c0_i32, %c0_i32_0 : i32, i32, i32
  }
  func.func @transform_4(%arg0: i32) -> (i32, i32, i32) {
    %c0_i32 = arith.constant 0 : i32
    %c0_i32_0 = arith.constant 0 : i32
    %c0_i32_1 = arith.constant 0 : i32
    return %arg0, %c0_i32, %c0_i32_0 : i32, i32, i32
  }
}

module attributes {stable_mosaic.version = 14 : i64} {
  func.func @_flash_kernel(%arg0: i32, %arg1: i32, %arg2: memref<1x1x1xf32, #tpu.memory_space<smem>>, %arg3: memref<1x1024x64xf32, #tpu.memory_space<vmem>>, %arg4: memref<1x5120x64xf32, #tpu.memory_space<vmem>>, %arg5: memref<1x5120x64xf32, #tpu.memory_space<vmem>>, %arg6: memref<1024x64xf32, #tpu.memory_space<vmem>>, %arg7: memref<1024x64xf32, #tpu.memory_space<vmem>>, %arg8: memref<1x1024x64xf32, #tpu.memory_space<vmem>>) attributes {dimension_semantics = [#tpu.dimension_semantics<arbitrary>, #tpu.dimension_semantics<arbitrary>], iteration_bounds = array<i64: 8, 5>, scalar_prefetch = 0 : i64, scratch_operands = 0 : i64, tpu.core_type = #tpu.core_type<tc>, window_params = [{transform_indices = @transform_0, window_bounds = array<i64: 1, 1, 1>}, {transform_indices = @transform_1, window_bounds = array<i64: 1, 1024, 64>}, {transform_indices = @transform_2, window_bounds = array<i64: 1, 5120, 64>}, {transform_indices = @transform_3, window_bounds = array<i64: 1, 5120, 64>}, {transform_indices = @transform_4, window_bounds = array<i64: 1024, 64>}, {transform_indices = @transform_5, window_bounds = array<i64: 1024, 64>}, {transform_indices = @transform_6, window_bounds = array<i64: 1, 1024, 64>}]} {
    %get3A = arith.constant 0 : index
    %get3A_0 = arith.constant 0 : index
    %get3A_1 = arith.constant 0 : index
    %get3A_2 = vector.load %arg3[%get3A, %get3A_0, %get3A_1] : memref<1x1024x64xf32, #tpu.memory_space<vmem>>, vector<1x1024x64xf32>
    %get3A_3 = vector.shape_cast %get3A_2 : vector<1x1024x64xf32> to vector<1024x64xf32>
    %get3A_4 = arith.constant 0 : index
    %get3A_5 = arith.constant 0 : index
    %get3A_6 = vector.load %arg6[%get3A_4, %get3A_5] : memref<1024x64xf32, #tpu.memory_space<vmem>>, vector<1024x64xf32>
    %get3A_7 = arith.constant 0 : index
    %get3A_8 = arith.constant 0 : index
    %get3A_9 = vector.load %arg7[%get3A_7, %get3A_8] : memref<1024x64xf32, #tpu.memory_space<vmem>>, vector<1024x64xf32>
    %slice3A = vector.extract_strided_slice %get3A_3 {offsets = [0, 32], sizes = [1024, 32], strides = [1, 1]} : vector<1024x64xf32> to vector<1024x32xf32>
    %neg3A = arith.constant 0.000000e+00 : f32
    %neg3A_10 = vector.broadcast %neg3A : f32 to vector<1024x32xf32>
    %neg3A_11 = arith.subf %neg3A_10, %slice3A : vector<1024x32xf32>
    %slice3A_12 = vector.extract_strided_slice %get3A_3 {offsets = [0, 0], sizes = [1024, 32], strides = [1, 1]} : vector<1024x64xf32> to vector<1024x32xf32>
    %concatenate3A = tpu.concatenate %neg3A_11, %slice3A_12 in 1 : vector<1024x32xf32>, vector<1024x32xf32> -> vector<1024x64xf32>
    %mul3A = arith.mulf %get3A_3, %get3A_6 : vector<1024x64xf32>
    %mul3A_13 = arith.mulf %concatenate3A, %get3A_9 : vector<1024x64xf32>
    %add3A = arith.addf %mul3A, %mul3A_13 : vector<1024x64xf32>
    %mul3A_14 = arith.mulf %add3A, %add3A : vector<1024x64xf32>
    %reduce_sum3A = arith.constant dense<0.000000e+00> : vector<1024xf32>
    %reduce_sum3A_15 = vector.multi_reduction <add>, %mul3A_14, %reduce_sum3A [1] : vector<1024x64xf32> to vector<1024xf32>
    %broadcast_in_dim3A = vector.shape_cast %reduce_sum3A_15 : vector<1024xf32> to vector<1024x1xf32>
    %get3A_16 = arith.constant 0 : index
    %get3A_17 = arith.constant 0 : index
    %get3A_18 = arith.constant 0 : index
    %get3A_19 = memref.load %arg2[%get3A_16, %get3A_17, %get3A_18] : memref<1x1x1xf32, #tpu.memory_space<smem>>
    %mul3A_20 = vector.broadcast %get3A_19 : f32 to vector<1024x1xf32>
    %mul3A_21 = arith.mulf %broadcast_in_dim3A, %mul3A_20 : vector<1024x1xf32>
    %sqrt3A = math.sqrt %mul3A_21 : vector<1024x1xf32>
    %mul3A_22 = arith.constant 1.250000e-01 : f32
    %mul3A_23 = vector.broadcast %mul3A_22 : f32 to vector<1024x1xf32>
    %mul3A_24 = arith.mulf %sqrt3A, %mul3A_23 : vector<1024x1xf32>
    %add3A_25 = arith.constant 9.99999968E-21 : f32
    %add3A_26 = vector.broadcast %add3A_25 : f32 to vector<1024x1xf32>
    %add3A_27 = arith.addf %mul3A_24, %add3A_26 : vector<1024x1xf32>
    %mul3A_28 = arith.constant 1.250000e-01 : f32
    %mul3A_29 = vector.broadcast %mul3A_28 : f32 to vector<1024x64xf32>
    %mul3A_30 = arith.mulf %add3A, %mul3A_29 : vector<1024x64xf32>
    %convert_element_type3A = arith.truncf %mul3A_30 : vector<1024x64xf32> to vector<1024x64xbf16>
    %mul3A_31 = arith.constant 1024 : i32
    %mul3A_32 = arith.muli %arg1, %mul3A_31 : i32
    %iota3A = tpu.iota {dimensions = array<i32: 0>} : vector<1024x1024xi32>
    %add3A_33 = vector.broadcast %mul3A_32 : i32 to vector<1024x1024xi32>
    %add3A_34 = arith.addi %add3A_33, %iota3A : vector<1024x1024xi32>
    %broadcast_in_dim3A_35 = arith.constant 0.000000e+00 : f32
    %broadcast_in_dim3A_36 = vector.broadcast %broadcast_in_dim3A_35 : f32 to vector<1024x1xf32>
    %broadcast_in_dim3A_37 = arith.constant 0.000000e+00 : f32
    %broadcast_in_dim3A_38 = vector.broadcast %broadcast_in_dim3A_37 : f32 to vector<1024x64xf32>
    %mul3A_39 = arith.constant 1024 : i32
    %mul3A_40 = arith.muli %arg1, %mul3A_39 : i32
    %jit3A = arith.constant 1024 : i32
    %div3A = arith.divsi %mul3A_40, %jit3A : i32
    %sign3A = arith.constant 0 : i32
    %sign3A_41 = arith.cmpi sgt, %mul3A_40, %sign3A : i32
    %sign3A_42 = arith.extui %sign3A_41 : i1 to i32
    %sign3A_43 = arith.constant 0 : i32
    %sign3A_44 = arith.cmpi slt, %mul3A_40, %sign3A_43 : i32
    %sign3A_45 = arith.extui %sign3A_44 : i1 to i32
    %sign3A_46 = arith.subi %sign3A_42, %sign3A_45 : i32
    %sign3A_47 = arith.constant 0 : i32
    %sign3A_48 = arith.cmpi sgt, %jit3A, %sign3A_47 : i32
    %sign3A_49 = arith.extui %sign3A_48 : i1 to i32
    %sign3A_50 = arith.constant 0 : i32
    %sign3A_51 = arith.cmpi slt, %jit3A, %sign3A_50 : i32
    %sign3A_52 = arith.extui %sign3A_51 : i1 to i32
    %sign3A_53 = arith.subi %sign3A_49, %sign3A_52 : i32
    %ne3A = arith.cmpi ne, %sign3A_46, %sign3A_53 : i32
    %rem3A = arith.remsi %mul3A_40, %jit3A : i32
    %ne3A_54 = arith.constant 0 : i32
    %ne3A_55 = arith.cmpi ne, %rem3A, %ne3A_54 : i32
    %and3A = arith.andi %ne3A, %ne3A_55 : i1
    %sub3A = arith.constant 1 : i32
    %sub3A_56 = arith.subi %div3A, %sub3A : i32
    %select_n3A = arith.select %and3A, %sub3A_56, %div3A : i32
    %add3A_57 = arith.constant 1 : i32
    %add3A_58 = arith.addi %arg1, %add3A_57 : i32
    %mul3A_59 = arith.constant 1024 : i32
    %mul3A_60 = arith.muli %add3A_58, %mul3A_59 : i32
    %add3A_61 = arith.constant 1024 : i32
    %add3A_62 = arith.addi %mul3A_60, %add3A_61 : i32
    %sub3A_63 = arith.constant 1 : i32
    %sub3A_64 = arith.subi %add3A_62, %sub3A_63 : i32
    %jit3A_65 = arith.constant 1024 : i32
    %div3A_66 = arith.divsi %sub3A_64, %jit3A_65 : i32
    %sign3A_67 = arith.constant 0 : i32
    %sign3A_68 = arith.cmpi sgt, %sub3A_64, %sign3A_67 : i32
    %sign3A_69 = arith.extui %sign3A_68 : i1 to i32
    %sign3A_70 = arith.constant 0 : i32
    %sign3A_71 = arith.cmpi slt, %sub3A_64, %sign3A_70 : i32
    %sign3A_72 = arith.extui %sign3A_71 : i1 to i32
    %sign3A_73 = arith.subi %sign3A_69, %sign3A_72 : i32
    %sign3A_74 = arith.constant 0 : i32
    %sign3A_75 = arith.cmpi sgt, %jit3A_65, %sign3A_74 : i32
    %sign3A_76 = arith.extui %sign3A_75 : i1 to i32
    %sign3A_77 = arith.constant 0 : i32
    %sign3A_78 = arith.cmpi slt, %jit3A_65, %sign3A_77 : i32
    %sign3A_79 = arith.extui %sign3A_78 : i1 to i32
    %sign3A_80 = arith.subi %sign3A_76, %sign3A_79 : i32
    %ne3A_81 = arith.cmpi ne, %sign3A_73, %sign3A_80 : i32
    %rem3A_82 = arith.remsi %sub3A_64, %jit3A_65 : i32
    %ne3A_83 = arith.constant 0 : i32
    %ne3A_84 = arith.cmpi ne, %rem3A_82, %ne3A_83 : i32
    %and3A_85 = arith.andi %ne3A_81, %ne3A_84 : i1
    %sub3A_86 = arith.constant 1 : i32
    %sub3A_87 = arith.subi %div3A_66, %sub3A_86 : i32
    %select_n3A_88 = arith.select %and3A_85, %sub3A_87, %div3A_66 : i32
    %while3A = arith.constant 0 : i32
    %while3A_89 = arith.subi %select_n3A, %while3A : i32
    %while3A_90 = arith.addi %while3A, %while3A_89 : i32
    %while3A_91 = arith.constant 1 : i32
    %while3A_92 = arith.divsi %while3A_89, %while3A_91 : i32
    %while3A_93 = arith.muli %while3A_92, %while3A_91 : i32
    %while3A_94 = arith.addi %while3A, %while3A_93 : i32
    %while3A_95 = arith.constant 1 : i32
    %while3A_96:2 = scf.for %while3A_116 = %while3A to %while3A_94 step %while3A_95 iter_args(%while3A_117 = %broadcast_in_dim3A_36, %while3A_118 = %broadcast_in_dim3A_38) -> (vector<1024x1xf32>, vector<1024x64xf32>)  : i32 {
      %mul3A_119 = arith.constant 1024 : i32
      %mul3A_120 = arith.muli %while3A_116, %mul3A_119 : i32
      %get3A_121 = arith.constant 0 : index
      %get3A_122 = arith.index_cast %mul3A_120 : i32 to index
      %get3A_123 = arith.constant 0 : index
      %get3A_124 = vector.load %arg4[%get3A_121, %get3A_122, %get3A_123] : memref<1x5120x64xf32, #tpu.memory_space<vmem>>, vector<1x1024x64xf32>
      %get3A_125 = vector.shape_cast %get3A_124 : vector<1x1024x64xf32> to vector<1024x64xf32>
      %convert_element_type3A_126 = arith.truncf %get3A_125 : vector<1024x64xf32> to vector<1024x64xbf16>
      %mul3A_127 = arith.constant 1024 : i32
      %mul3A_128 = arith.muli %while3A_116, %mul3A_127 : i32
      %get3A_129 = arith.constant 0 : index
      %get3A_130 = arith.index_cast %mul3A_128 : i32 to index
      %get3A_131 = arith.constant 0 : index
      %get3A_132 = vector.load %arg5[%get3A_129, %get3A_130, %get3A_131] : memref<1x5120x64xf32, #tpu.memory_space<vmem>>, vector<1x1024x64xf32>
      %get3A_133 = vector.shape_cast %get3A_132 : vector<1x1024x64xf32> to vector<1024x64xf32>
      %convert_element_type3A_134 = arith.truncf %get3A_133 : vector<1024x64xf32> to vector<1024x64xbf16>
      %dot_general3A = arith.constant dense<0.000000e+00> : vector<1024x1024xf32>
      %dot_general3A_135 = tpu.matmul %convert_element_type3A, %convert_element_type3A_126, %dot_general3A {dimension_numbers = #tpu.dot_dimension_numbers<[1], [1], [0], [0], [0, 0, 1, 0], [], []>, transpose_lhs_hint = false} : vector<1024x64xbf16>, vector<1024x64xbf16>, vector<1024x1024xf32> -> vector<1024x1024xf32>
      %sub3A_136 = vector.broadcast %add3A_27 : vector<1024x1xf32> to vector<1024x1024xf32>
      %sub3A_137 = arith.subf %dot_general3A_135, %sub3A_136 : vector<1024x1024xf32>
      %exp3A = math.exp %sub3A_137 : vector<1024x1024xf32>
      %reduce_sum3A_138 = arith.constant dense<0.000000e+00> : vector<1024xf32>
      %reduce_sum3A_139 = vector.multi_reduction <add>, %exp3A, %reduce_sum3A_138 [1] : vector<1024x1024xf32> to vector<1024xf32>
      %broadcast_in_dim3A_140 = vector.shape_cast %reduce_sum3A_139 : vector<1024xf32> to vector<1024x1xf32>
      %add3A_141 = arith.addf %while3A_117, %broadcast_in_dim3A_140 : vector<1024x1xf32>
      %convert_element_type3A_142 = arith.truncf %exp3A : vector<1024x1024xf32> to vector<1024x1024xbf16>
      %dot_general3A_143 = arith.constant dense<0.000000e+00> : vector<1024x64xf32>
      %dot_general3A_144 = tpu.matmul %convert_element_type3A_142, %convert_element_type3A_134, %dot_general3A_143 {dimension_numbers = #tpu.dot_dimension_numbers<[1], [0], [0], [1], [0, 0, 1, 1], [], []>, transpose_lhs_hint = false} : vector<1024x1024xbf16>, vector<1024x64xbf16>, vector<1024x64xf32> -> vector<1024x64xf32>
      %add3A_145 = arith.addf %while3A_118, %dot_general3A_144 : vector<1024x64xf32>
      scf.yield %add3A_141, %add3A_145 : vector<1024x1xf32>, vector<1024x64xf32>
    }
    %while3A_97 = arith.constant 1 : i32
    %while3A_98:2 = scf.for %while3A_116 = %while3A_94 to %while3A_90 step %while3A_97 iter_args(%while3A_117 = %while3A_96#0, %while3A_118 = %while3A_96#1) -> (vector<1024x1xf32>, vector<1024x64xf32>)  : i32 {
      %mul3A_119 = arith.constant 1024 : i32
      %mul3A_120 = arith.muli %while3A_116, %mul3A_119 : i32
      %get3A_121 = arith.constant 0 : index
      %get3A_122 = arith.index_cast %mul3A_120 : i32 to index
      %get3A_123 = arith.constant 0 : index
      %get3A_124 = vector.load %arg4[%get3A_121, %get3A_122, %get3A_123] : memref<1x5120x64xf32, #tpu.memory_space<vmem>>, vector<1x1024x64xf32>
      %get3A_125 = vector.shape_cast %get3A_124 : vector<1x1024x64xf32> to vector<1024x64xf32>
      %convert_element_type3A_126 = arith.truncf %get3A_125 : vector<1024x64xf32> to vector<1024x64xbf16>
      %mul3A_127 = arith.constant 1024 : i32
      %mul3A_128 = arith.muli %while3A_116, %mul3A_127 : i32
      %get3A_129 = arith.constant 0 : index
      %get3A_130 = arith.index_cast %mul3A_128 : i32 to index
      %get3A_131 = arith.constant 0 : index
      %get3A_132 = vector.load %arg5[%get3A_129, %get3A_130, %get3A_131] : memref<1x5120x64xf32, #tpu.memory_space<vmem>>, vector<1x1024x64xf32>
      %get3A_133 = vector.shape_cast %get3A_132 : vector<1x1024x64xf32> to vector<1024x64xf32>
      %convert_element_type3A_134 = arith.truncf %get3A_133 : vector<1024x64xf32> to vector<1024x64xbf16>
      %dot_general3A = arith.constant dense<0.000000e+00> : vector<1024x1024xf32>
      %dot_general3A_135 = tpu.matmul %convert_element_type3A, %convert_element_type3A_126, %dot_general3A {dimension_numbers = #tpu.dot_dimension_numbers<[1], [1], [0], [0], [0, 0, 1, 0], [], []>, transpose_lhs_hint = false} : vector<1024x64xbf16>, vector<1024x64xbf16>, vector<1024x1024xf32> -> vector<1024x1024xf32>
      %sub3A_136 = vector.broadcast %add3A_27 : vector<1024x1xf32> to vector<1024x1024xf32>
      %sub3A_137 = arith.subf %dot_general3A_135, %sub3A_136 : vector<1024x1024xf32>
      %exp3A = math.exp %sub3A_137 : vector<1024x1024xf32>
      %reduce_sum3A_138 = arith.constant dense<0.000000e+00> : vector<1024xf32>
      %reduce_sum3A_139 = vector.multi_reduction <add>, %exp3A, %reduce_sum3A_138 [1] : vector<1024x1024xf32> to vector<1024xf32>
      %broadcast_in_dim3A_140 = vector.shape_cast %reduce_sum3A_139 : vector<1024xf32> to vector<1024x1xf32>
      %add3A_141 = arith.addf %while3A_117, %broadcast_in_dim3A_140 : vector<1024x1xf32>
      %convert_element_type3A_142 = arith.truncf %exp3A : vector<1024x1024xf32> to vector<1024x1024xbf16>
      %dot_general3A_143 = arith.constant dense<0.000000e+00> : vector<1024x64xf32>
      %dot_general3A_144 = tpu.matmul %convert_element_type3A_142, %convert_element_type3A_134, %dot_general3A_143 {dimension_numbers = #tpu.dot_dimension_numbers<[1], [0], [0], [1], [0, 0, 1, 1], [], []>, transpose_lhs_hint = false} : vector<1024x1024xbf16>, vector<1024x64xbf16>, vector<1024x64xf32> -> vector<1024x64xf32>
      %add3A_145 = arith.addf %while3A_118, %dot_general3A_144 : vector<1024x64xf32>
      scf.yield %add3A_141, %add3A_145 : vector<1024x1xf32>, vector<1024x64xf32>
    }
    %while3A_99 = arith.subi %select_n3A_88, %select_n3A : i32
    %while3A_100 = arith.addi %select_n3A, %while3A_99 : i32
    %while3A_101 = arith.constant 1 : i32
    %while3A_102 = arith.divsi %while3A_99, %while3A_101 : i32
    %while3A_103 = arith.muli %while3A_102, %while3A_101 : i32
    %while3A_104 = arith.addi %select_n3A, %while3A_103 : i32
    %while3A_105 = arith.constant 1 : i32
    %while3A_106:2 = scf.for %while3A_116 = %select_n3A to %while3A_104 step %while3A_105 iter_args(%while3A_117 = %while3A_98#0, %while3A_118 = %while3A_98#1) -> (vector<1024x1xf32>, vector<1024x64xf32>)  : i32 {
      %mul3A_119 = arith.constant 1024 : i32
      %mul3A_120 = arith.muli %while3A_116, %mul3A_119 : i32
      %get3A_121 = arith.constant 0 : index
      %get3A_122 = arith.index_cast %mul3A_120 : i32 to index
      %get3A_123 = arith.constant 0 : index
      %get3A_124 = vector.load %arg4[%get3A_121, %get3A_122, %get3A_123] : memref<1x5120x64xf32, #tpu.memory_space<vmem>>, vector<1x1024x64xf32>
      %get3A_125 = vector.shape_cast %get3A_124 : vector<1x1024x64xf32> to vector<1024x64xf32>
      %convert_element_type3A_126 = arith.truncf %get3A_125 : vector<1024x64xf32> to vector<1024x64xbf16>
      %mul3A_127 = arith.constant 1024 : i32
      %mul3A_128 = arith.muli %while3A_116, %mul3A_127 : i32
      %get3A_129 = arith.constant 0 : index
      %get3A_130 = arith.index_cast %mul3A_128 : i32 to index
      %get3A_131 = arith.constant 0 : index
      %get3A_132 = vector.load %arg5[%get3A_129, %get3A_130, %get3A_131] : memref<1x5120x64xf32, #tpu.memory_space<vmem>>, vector<1x1024x64xf32>
      %get3A_133 = vector.shape_cast %get3A_132 : vector<1x1024x64xf32> to vector<1024x64xf32>
      %convert_element_type3A_134 = arith.truncf %get3A_133 : vector<1024x64xf32> to vector<1024x64xbf16>
      %dot_general3A = arith.constant dense<0.000000e+00> : vector<1024x1024xf32>
      %dot_general3A_135 = tpu.matmul %convert_element_type3A, %convert_element_type3A_126, %dot_general3A {dimension_numbers = #tpu.dot_dimension_numbers<[1], [1], [0], [0], [0, 0, 1, 0], [], []>, transpose_lhs_hint = false} : vector<1024x64xbf16>, vector<1024x64xbf16>, vector<1024x1024xf32> -> vector<1024x1024xf32>
      %mul3A_136 = arith.constant 1024 : i32
      %mul3A_137 = arith.muli %while3A_116, %mul3A_136 : i32
      %iota3A_138 = tpu.iota {dimensions = array<i32: 1>} : vector<1024x1024xi32>
      %add3A_139 = vector.broadcast %mul3A_137 : i32 to vector<1024x1024xi32>
      %add3A_140 = arith.addi %add3A_139, %iota3A_138 : vector<1024x1024xi32>
      %le3A = arith.cmpi sle, %add3A_140, %add3A_34 : vector<1024x1024xi32>
      %jit3A_141 = arith.constant 0xFF800000 : f32
      %broadcast_in_dim3A_142 = vector.broadcast %jit3A_141 : f32 to vector<1024x1024xf32>
      %select_n3A_143 = arith.select %le3A, %dot_general3A_135, %broadcast_in_dim3A_142 : vector<1024x1024xi1>, vector<1024x1024xf32>
      %sub3A_144 = vector.broadcast %add3A_27 : vector<1024x1xf32> to vector<1024x1024xf32>
      %sub3A_145 = arith.subf %select_n3A_143, %sub3A_144 : vector<1024x1024xf32>
      %exp3A = math.exp %sub3A_145 : vector<1024x1024xf32>
      %reduce_sum3A_146 = arith.constant dense<0.000000e+00> : vector<1024xf32>
      %reduce_sum3A_147 = vector.multi_reduction <add>, %exp3A, %reduce_sum3A_146 [1] : vector<1024x1024xf32> to vector<1024xf32>
      %broadcast_in_dim3A_148 = vector.shape_cast %reduce_sum3A_147 : vector<1024xf32> to vector<1024x1xf32>
      %add3A_149 = arith.addf %while3A_117, %broadcast_in_dim3A_148 : vector<1024x1xf32>
      %convert_element_type3A_150 = arith.truncf %exp3A : vector<1024x1024xf32> to vector<1024x1024xbf16>
      %dot_general3A_151 = arith.constant dense<0.000000e+00> : vector<1024x64xf32>
      %dot_general3A_152 = tpu.matmul %convert_element_type3A_150, %convert_element_type3A_134, %dot_general3A_151 {dimension_numbers = #tpu.dot_dimension_numbers<[1], [0], [0], [1], [0, 0, 1, 1], [], []>, transpose_lhs_hint = false} : vector<1024x1024xbf16>, vector<1024x64xbf16>, vector<1024x64xf32> -> vector<1024x64xf32>
      %add3A_153 = arith.addf %while3A_118, %dot_general3A_152 : vector<1024x64xf32>
      scf.yield %add3A_149, %add3A_153 : vector<1024x1xf32>, vector<1024x64xf32>
    }
    %while3A_107 = arith.constant 1 : i32
    %while3A_108:2 = scf.for %while3A_116 = %while3A_104 to %while3A_100 step %while3A_107 iter_args(%while3A_117 = %while3A_106#0, %while3A_118 = %while3A_106#1) -> (vector<1024x1xf32>, vector<1024x64xf32>)  : i32 {
      %mul3A_119 = arith.constant 1024 : i32
      %mul3A_120 = arith.muli %while3A_116, %mul3A_119 : i32
      %get3A_121 = arith.constant 0 : index
      %get3A_122 = arith.index_cast %mul3A_120 : i32 to index
      %get3A_123 = arith.constant 0 : index
      %get3A_124 = vector.load %arg4[%get3A_121, %get3A_122, %get3A_123] : memref<1x5120x64xf32, #tpu.memory_space<vmem>>, vector<1x1024x64xf32>
      %get3A_125 = vector.shape_cast %get3A_124 : vector<1x1024x64xf32> to vector<1024x64xf32>
      %convert_element_type3A_126 = arith.truncf %get3A_125 : vector<1024x64xf32> to vector<1024x64xbf16>
      %mul3A_127 = arith.constant 1024 : i32
      %mul3A_128 = arith.muli %while3A_116, %mul3A_127 : i32
      %get3A_129 = arith.constant 0 : index
      %get3A_130 = arith.index_cast %mul3A_128 : i32 to index
      %get3A_131 = arith.constant 0 : index
      %get3A_132 = vector.load %arg5[%get3A_129, %get3A_130, %get3A_131] : memref<1x5120x64xf32, #tpu.memory_space<vmem>>, vector<1x1024x64xf32>
      %get3A_133 = vector.shape_cast %get3A_132 : vector<1x1024x64xf32> to vector<1024x64xf32>
      %convert_element_type3A_134 = arith.truncf %get3A_133 : vector<1024x64xf32> to vector<1024x64xbf16>
      %dot_general3A = arith.constant dense<0.000000e+00> : vector<1024x1024xf32>
      %dot_general3A_135 = tpu.matmul %convert_element_type3A, %convert_element_type3A_126, %dot_general3A {dimension_numbers = #tpu.dot_dimension_numbers<[1], [1], [0], [0], [0, 0, 1, 0], [], []>, transpose_lhs_hint = false} : vector<1024x64xbf16>, vector<1024x64xbf16>, vector<1024x1024xf32> -> vector<1024x1024xf32>
      %mul3A_136 = arith.constant 1024 : i32
      %mul3A_137 = arith.muli %while3A_116, %mul3A_136 : i32
      %iota3A_138 = tpu.iota {dimensions = array<i32: 1>} : vector<1024x1024xi32>
      %add3A_139 = vector.broadcast %mul3A_137 : i32 to vector<1024x1024xi32>
      %add3A_140 = arith.addi %add3A_139, %iota3A_138 : vector<1024x1024xi32>
      %le3A = arith.cmpi sle, %add3A_140, %add3A_34 : vector<1024x1024xi32>
      %jit3A_141 = arith.constant 0xFF800000 : f32
      %broadcast_in_dim3A_142 = vector.broadcast %jit3A_141 : f32 to vector<1024x1024xf32>
      %select_n3A_143 = arith.select %le3A, %dot_general3A_135, %broadcast_in_dim3A_142 : vector<1024x1024xi1>, vector<1024x1024xf32>
      %sub3A_144 = vector.broadcast %add3A_27 : vector<1024x1xf32> to vector<1024x1024xf32>
      %sub3A_145 = arith.subf %select_n3A_143, %sub3A_144 : vector<1024x1024xf32>
      %exp3A = math.exp %sub3A_145 : vector<1024x1024xf32>
      %reduce_sum3A_146 = arith.constant dense<0.000000e+00> : vector<1024xf32>
      %reduce_sum3A_147 = vector.multi_reduction <add>, %exp3A, %reduce_sum3A_146 [1] : vector<1024x1024xf32> to vector<1024xf32>
      %broadcast_in_dim3A_148 = vector.shape_cast %reduce_sum3A_147 : vector<1024xf32> to vector<1024x1xf32>
      %add3A_149 = arith.addf %while3A_117, %broadcast_in_dim3A_148 : vector<1024x1xf32>
      %convert_element_type3A_150 = arith.truncf %exp3A : vector<1024x1024xf32> to vector<1024x1024xbf16>
      %dot_general3A_151 = arith.constant dense<0.000000e+00> : vector<1024x64xf32>
      %dot_general3A_152 = tpu.matmul %convert_element_type3A_150, %convert_element_type3A_134, %dot_general3A_151 {dimension_numbers = #tpu.dot_dimension_numbers<[1], [0], [0], [1], [0, 0, 1, 1], [], []>, transpose_lhs_hint = false} : vector<1024x1024xbf16>, vector<1024x64xbf16>, vector<1024x64xf32> -> vector<1024x64xf32>
      %add3A_153 = arith.addf %while3A_118, %dot_general3A_152 : vector<1024x64xf32>
      scf.yield %add3A_149, %add3A_153 : vector<1024x1xf32>, vector<1024x64xf32>
    }
    %div3A_109 = vector.broadcast %while3A_108#0 : vector<1024x1xf32> to vector<1024x64xf32>
    %div3A_110 = arith.divf %while3A_108#1, %div3A_109 : vector<1024x64xf32>
    %swap3A = arith.constant 0 : index
    %swap3A_111 = arith.constant 0 : index
    %swap3A_112 = arith.constant 0 : index
    %swap3A_113 = vector.load %arg8[%swap3A, %swap3A_111, %swap3A_112] : memref<1x1024x64xf32, #tpu.memory_space<vmem>>, vector<1x1024x64xf32>
    %swap3A_114 = vector.shape_cast %swap3A_113 : vector<1x1024x64xf32> to vector<1024x64xf32>
    %swap3A_115 = vector.shape_cast %div3A_110 : vector<1024x64xf32> to vector<1x1024x64xf32>
    tpu.vector_store %arg8[%swap3A, %swap3A_111, %swap3A_112], %swap3A_115 {strides = array<i32>} : memref<1x1024x64xf32, #tpu.memory_space<vmem>>, vector<1x1024x64xf32>,
    return
  }
  func.func @transform_0(%arg0: i32, %arg1: i32) -> (i32, i32, i32) {
    %c0_i32 = arith.constant 0 : i32
    %c0_i32_0 = arith.constant 0 : i32
    %c0_i32_1 = arith.constant 0 : i32
    return %arg0, %c0_i32, %c0_i32_0 : i32, i32, i32
  }
  func.func @transform_1(%arg0: i32, %arg1: i32) -> (i32, i32, i32) {
    %c0_i32 = arith.constant 0 : i32
    %c0_i32_0 = arith.constant 0 : i32
    return %arg0, %arg1, %c0_i32 : i32, i32, i32
  }
  func.func @transform_2(%arg0: i32, %arg1: i32) -> (i32, i32, i32) {
    %c0_i32 = arith.constant 0 : i32
    %c0_i32_0 = arith.constant 0 : i32
    %c0_i32_1 = arith.constant 0 : i32
    return %arg0, %c0_i32, %c0_i32_0 : i32, i32, i32
  }
  func.func @transform_3(%arg0: i32, %arg1: i32) -> (i32, i32, i32) {
    %c0_i32 = arith.constant 0 : i32
    %c0_i32_0 = arith.constant 0 : i32
    %c0_i32_1 = arith.constant 0 : i32
    return %arg0, %c0_i32, %c0_i32_0 : i32, i32, i32
  }
  func.func @transform_4(%arg0: i32, %arg1: i32) -> (i32, i32) {
    %c0_i32 = arith.constant 0 : i32
    %c0_i32_0 = arith.constant 0 : i32
    return %arg1, %c0_i32 : i32, i32
  }
  func.func @transform_5(%arg0: i32, %arg1: i32) -> (i32, i32) {
    %c0_i32 = arith.constant 0 : i32
    %c0_i32_0 = arith.constant 0 : i32
    return %arg1, %c0_i32 : i32, i32
  }
  func.func @transform_6(%arg0: i32, %arg1: i32) -> (i32, i32, i32) {
    %c0_i32 = arith.constant 0 : i32
    %c0_i32_0 = arith.constant 0 : i32
    return %arg0, %arg1, %c0_i32 : i32, i32, i32
  }
}

module attributes {stable_mosaic.version = 14 : i64} {
  func.func @kern2(%arg0: i32, %arg1: i32, %arg2: memref<256x1024xf32, #tpu.memory_space<vmem>>, %arg3: memref<1024x512xf32, #tpu.memory_space<vmem>>, %arg4: memref<256x512xf32, #tpu.memory_space<vmem>>) attributes {dimension_semantics = [#tpu.dimension_semantics<arbitrary>, #tpu.dimension_semantics<arbitrary>], iteration_bounds = array<i64: 8, 2>, scalar_prefetch = 0 : i64, scratch_operands = 0 : i64, tpu.core_type = #tpu.core_type<tc>, window_params = [{transform_indices = @transform_0, window_bounds = array<i64: 256, 1024>}, {transform_indices = @transform_1, window_bounds = array<i64: 1024, 512>}, {transform_indices = @transform_2, window_bounds = array<i64: 256, 512>}]} {
    %get3A = arith.constant 0 : index
    %get3A_0 = arith.constant 0 : index
    %get3A_1 = vector.load %arg2[%get3A, %get3A_0] : memref<256x1024xf32, #tpu.memory_space<vmem>>, vector<256x1024xf32>
    %get3A_2 = arith.constant 0 : index
    %get3A_3 = arith.constant 0 : index
    %get3A_4 = vector.load %arg3[%get3A_2, %get3A_3] : memref<1024x512xf32, #tpu.memory_space<vmem>>, vector<1024x512xf32>
    %convert_element_type3A = arith.truncf %get3A_1 : vector<256x1024xf32> to vector<256x1024xbf16>
    %convert_element_type3A_5 = arith.truncf %get3A_4 : vector<1024x512xf32> to vector<1024x512xbf16>
    %dot_general3A = arith.constant dense<0.000000e+00> : vector<256x512xf32>
    %dot_general3A_6 = tpu.matmul %convert_element_type3A, %convert_element_type3A_5, %dot_general3A {dimension_numbers = #tpu.dot_dimension_numbers<[1], [0], [0], [1], [0, 0, 1, 1], [], []>, transpose_lhs_hint = false} : vector<256x1024xbf16>, vector<1024x512xbf16>, vector<256x512xf32> -> vector<256x512xf32>
    %swap3A = arith.constant 0 : index
    %swap3A_7 = arith.constant 0 : index
    %swap3A_8 = vector.load %arg4[%swap3A, %swap3A_7] : memref<256x512xf32, #tpu.memory_space<vmem>>, vector<256x512xf32>
    tpu.vector_store %arg4[%swap3A, %swap3A_7], %dot_general3A_6 {strides = array<i32>} : memref<256x512xf32, #tpu.memory_space<vmem>>, vector<256x512xf32>,
    return
  }
  func.func @transform_0(%arg0: i32, %arg1: i32) -> (i32, i32) {
    %c0_i32 = arith.constant 0 : i32
    %c0_i32_0 = arith.constant 0 : i32
    return %arg0, %c0_i32 : i32, i32
  }
  func.func @transform_1(%arg0: i32, %arg1: i32) -> (i32, i32) {
    %c0_i32 = arith.constant 0 : i32
    %c0_i32_0 = arith.constant 0 : i32
    return %c0_i32, %arg1 : i32, i32
  }
  func.func @transform_2(%arg0: i32, %arg1: i32) -> (i32, i32) {
    %c0_i32 = arith.constant 0 : i32
    return %arg0, %arg1 : i32, i32
  }
}

</mosaic_0001>

<sc_bundles>
// kernel: kernel.8.cloned.1.call-start
scs
__scs_entry_jumppad:
0x0: {  	(pc) =	sbr.rel $0x88, $3  }
0x1: {  	(tag) =	ssettag $0x0;
	lr =	simm.s32 $0x1  }
0x2: {  	[smem:$0x3F98] =	sst lr;
	_ =	strace $0xD0000000  }
0x3: {  	_ = 	snop  }
0x4: {  	_ = 	snop  }
0x5: {  	_ = 	snop  }
0x6: {  	_ = 	snop  }
0x7: {  	_ = 	snop  }
__scs_overlays_trampoline_lowered:
0x8: {  	[smem:$0x3FA7] =	sst s0  }
0x9: {  	[smem:$0x3FA8] =	sst s1  }
0xa: {  	[smem:$0x3FA9] =	sst s2  }
0xb: {  	[smem:$0x3FAA] =	sst s3  }
0xc: {  	[smem:$0x3FAB] =	sst s4  }
0xd: {  	[smem:$0x3FAC] =	sst s5  }
0xe: {  	[smem:$0x3FAD] =	sst s6  }
0xf: {  	[smem:$0x3FAE] =	sst s7  }
0x10: {  	[smem:$0x3FAF] =	sst s8  }
0x11: {  	[smem:$0x3FB0] =	sst s9;
	s0 =	simm.s32 @!p0 $0x0  }
0x12: {  	s1 =	sld [smem:$0x3F96];
	s0 =	simm.s32 @p0 $0x1  }
0x13: {  	[smem:$0x3FB1] =	sst s0;
	s0 =	simm.s32 @!p1 $0x0  }
0x14: {  	s2 =	sld [smem:$0x3F95];
	s0 =	simm.s32 @p1 $0x1  }
0x15: {  	[smem:$0x3FB2] =	sst s0;
	s0 =	simm.s32 @!p2 $0x0  }
0x16: {  	s3 =	sld [smem:$0x3FDB];
	s0 =	simm.s32 @p2 $0x1  }
0x17: {  	s4 =	simm.s32 $0x1BF5;
	[smem:$0x3FB4] =	sst s0  }
0x18: {  	s0 =	sld [smem:$0x3F97];
	_ =	swait.ge [sflag:s4], $0x0  }
0x19: {  	s7 =	sld [smem:$0x3F98]  }
0x1a: {  	s8 =	sadd.s32 $0xFFFFE003, lr  }
0x1b: {  	s9 =	sadd.s32 $0xFFFFFEF7, lr;
	s5 =	simm.s32 $0xFFFFFFFF;
	p2 =	slt.u32 s8, $0xFFFFF086  }
0x1c: {  	p1 =	slt.u32 s9, $0xF7A;
	s5 =	simm.s32 @!p2 $0x0  }
0x1d: {  	s5 =	simm.s32 @p1 $0x1;
	p0 =	seq.s32 s7, s2  }
0x1e: {  	s7 =	smul.u32 @!p0 $0xF7A, s2;
	p2 =	seq.s32 @!p0 s5, $0x0  }
0x1f: {  	s9 =	smul.u32 $0xF7A, s1;
	s8 =	simm.s32 @!p0 $0x1BF5;
	p2 =	por !p2, p0  }
0x20: {  	[sflag:s8] =	ssyncset.s32 @!p0 $0xFFFFF086;
	s6 =	sadd.s32 @!p0 s3, s7;
	s7 =	simm.s32 @!p0 $0x108  }
0x21: {  	s3 =	sadd.s32 s3, s9;
	s6 =	sadd.s32 @!p0 $0x88, s6;
	s7 =	simm.s32 @p2 $0x1082  }
0x22: {  	[simem:s7], [sflag:s8] =	dma.local @!p0 [hbm:s6], $0xF7A  }
0x23: {  	s9 =	sor.u32 $0xD0000000, s2;
	s6 =	simm.s32 $0x108;
	_ =	swait.ge @!p0 [sflag:s8], $0x0  }
0x24: {  	s3 =	sadd.s32 $0x88, s3;
	s6 =	simm.s32 @!p1 $0x1082;
	[sflag:s4] =	ssyncset.s32 $0xFFFFF086  }
0x25: {  	[simem:s6], [sflag:s4] =	dma.local [hbm:s3], $0xF7A  }
0x26: {  	[smem:$0x3F98] =	sst s1;
	(tag) =	ssettag s2;
	_ =	strace s9  }
0x27: {  	s1 =	sld [smem:$0x3FA8]  }
0x28: {  	s2 =	sld [smem:$0x3FA9]  }
0x29: {  	s4 =	sld [smem:$0x3FAB]  }
0x2a: {  	p0 =	seq.s32 s5, $0x0;
	s5 =	sld [smem:$0x3FAC]  }
0x2b: {  	s6 =	sld [smem:$0x3FAD]  }
0x2c: {  	s7 =	sld [smem:$0x3FAE]  }
0x2d: {  	s3 =	simm.s32 $0x108;
	s8 =	sld [smem:$0x3FAF]  }
0x2e: {  	s3 =	simm.s32 @!p0 $0x1082;
	s9 =	sld [smem:$0x3FB0]  }
0x2f: {  	lr =	sadd.s32 s0, s3;
	s0 =	sld [smem:$0x3FA7]  }
0x30: {  	s3 =	sld [smem:$0x3FAA]  }
0x31: {  	[smem:$0x3FB3] =	sst s10  }
0x32: {  	s10 =	sld [smem:$0x3FB1];
	_ =	sdelay $0x3  }
0x33: {  	p0 =	seq.s32 s10, $0x1;
	s10 =	sld [smem:$0x3FB3];
	_ =	sdelay $0x3  }
0x34: {  	[smem:$0x3FB3] =	sst s10  }
0x35: {  	s10 =	sld [smem:$0x3FB2];
	_ =	sdelay $0x3  }
0x36: {  	p1 =	seq.s32 s10, $0x1;
	s10 =	sld [smem:$0x3FB3];
	_ =	sdelay $0x3  }
0x37: {  	[smem:$0x3FB3] =	sst s10  }
0x38: {  	s10 =	sld [smem:$0x3FB4]  }
0x39: {  	_ = 	snop;
	(pc) =	sbr.ind lr, $3  }
0x3a: {  	_ = 	snop  }
0x3b: {  	_ = 	snop  }
0x3c: {  	p2 =	seq.s32 s10, $0x1;
	s10 =	sld [smem:$0x3FB3]  }
0x3d: {  	_ =	shalt  }
0x3e: {  	_ =	shalt  }
0x3f: {  	_ =	shalt  }
0x40: {  	_ =	shalt  }
0x41: {  	_ =	shalt  }
0x42: {  	_ =	shalt  }
0x43: {  	_ =	shalt  }
0x44: {  	_ =	shalt  }
0x45: {  	_ =	shalt  }
0x46: {  	_ =	shalt  }
0x47: {  	_ =	shalt  }
0x48: {  	_ =	shalt  }
0x49: {  	_ =	shalt  }
0x4a: {  	_ =	shalt  }
0x4b: {  	_ =	shalt  }
0x4c: {  	_ =	shalt  }
0x4d: {  	_ =	shalt  }
0x4e: {  	_ =	shalt  }
0x4f: {  	_ =	shalt  }
0x50: {  	_ =	shalt  }
0x51: {  	_ =	shalt  }
0x52: {  	_ =	shalt  }
0x53: {  	_ =	shalt  }
0x54: {  	_ =	shalt  }
0x55: {  	_ =	shalt  }
0x56: {  	_ =	shalt  }
0x57: {  	_ =	shalt  }
0x58: {  	_ =	shalt  }
0x59: {  	_ =	shalt  }
0x5a: {  	_ =	shalt  }
0x5b: {  	_ =	shalt  }
0x5c: {  	_ =	shalt  }
0x5d: {  	_ =	shalt  }
0x5e: {  	_ =	shalt  }
0x5f: {  	_ =	shalt  }
0x60: {  	_ =	shalt  }
0x61: {  	_ =	shalt  }
0x62: {  	_ =	shalt  }
0x63: {  	_ =	shalt  }
0x64: {  	_ =	shalt  }
0x65: {  	_ =	shalt  }
0x66: {  	_ =	shalt  }
0x67: {  	_ =	shalt  }
0x68: {  	_ =	shalt  }
0x69: {  	_ =	shalt  }
0x6a: {  	_ =	shalt  }
0x6b: {  	_ =	shalt  }
0x6c: {  	_ =	shalt  }
0x6d: {  	_ =	shalt  }
0x6e: {  	_ =	shalt  }
0x6f: {  	_ =	shalt  }
0x70: {  	_ =	shalt  }
0x71: {  	_ =	shalt  }
0x72: {  	_ =	shalt  }
0x73: {  	_ =	shalt  }
0x74: {  	_ =	shalt  }
0x75: {  	_ =	shalt  }
0x76: {  	_ =	shalt  }
0x77: {  	_ =	shalt  }
0x78: {  	_ =	shalt  }
0x79: {  	_ =	shalt  }
0x7a: {  	_ =	shalt  }
0x7b: {  	_ =	shalt  }
0x7c: {  	_ =	shalt  }
0x7d: {  	_ =	shalt  }
0x7e: {  	_ =	shalt  }
0x7f: {  	_ =	shalt  }
0x80: {  	_ =	shalt  }
0x81: {  	_ =	shalt  }
0x82: {  	_ =	shalt  }
0x83: {  	_ =	shalt  }
0x84: {  	_ =	shalt  }
0x85: {  	_ =	shalt  }
0x86: {  	_ =	shalt  }
0x87: {  	_ =	shalt  }
.Lfunc_end0:
.L_simem_size_0:
called_computation_lowered:
.L_overlay_start_0:
0x88: {  	s2 =	sld [smem:$0x3FD9]  }
0x89: {  	s3 =	sld [smem:$0x3FFE];
	_ =	sdelay $0x1  }
0x8a: {  	s1 =	srdreg.scid  }
0x8b: {  	s0 =	sand.u32 $0x1, s1  }
0x8c: {  	s14 =	sshll.u32 s0, $0xA;
	s2 =	sadd.s32 s3, s2  }
0x8d: {  	s2 =	sadd.s32 s2, s14  }
0x8e: {  	[smem:$0x3FBF] =	sst s2  }
0x8f: {  	_ = 	snop  }
0x90: {  	s2 =	sld [smem:$0x3FD0];
	_ =	sdelay $0x2  }
0x91: {  	s15 =	simm.s32 $0xA;
	s4 =	simm.s32 $0x10  }
0x92: {  	[smem:s4], [sflag:s15] =	dma.local [hbm:s2], $0x1  }
0x93: {  	_ =	swait.eq [sflag:s15], $0x1  }
0x94: {  	[sflag:s15] =	ssyncset.done $0x0  }
0x95: {  	[sflag:s15] =	ssyncadd.s32 $0xFFFFFFFF  }
0x96: {  	s16 =	sld [smem:$0x10];
	(tm) =	ssettm $0x1  }
0x97: {  	s17 =	sld [smem:$0x3FFB];
	_ =	sdelay $0x3  }
0x98: {  	_ =	strace s17  }
0x99: {  	s3 =	sld [smem:$0x3FFC];
	_ =	sdelay $0x3  }
0x9a: {  	_ =	strace s3  }
0x9b: {  	s3 =	sld [smem:$0x3FFD];
	_ =	sdelay $0x3  }
0x9c: {  	_ =	strace s3  }
0x9d: {  	_ =	strace $0x8FFFFFFF  }
0x9e: {  	s18 =	sld [smem:$0x3FDB];
	_ =	sdelay $0x1  }
0x9f: {  	s19 =	simm.s32 $_scs_section_size  }
0xa0: {  	s5 =	simm.s32 $_size__tile_overlayer_lowered;
	s6 =	simm.s32 $_tile_overlayer_lowered  }
0xa1: {  	s22 =	simm.s32 $0x1BFF;
	s21 =	sshll.u32 s6, $0x1;
	s3 =	sadd.s32 s19, s18  }
0xa2: {  	s7 =	simm.s32 $0x0;
	s20 =	sshll.u32 s5, $0x1;
	s5 =	sadd.s32 s21, s3  }
0xa3: {  	[timem:s7], [sflag:s22] =	dma.local [hbm:s5], s20  }
0xa4: {  	_ =	swait.ge [sflag:s22], s20  }
0xa5: {  	s4 =	ssub.s32 $0x0, s20;
	[sflag:s22] =	ssyncset.done $0x0  }
0xa6: {  	[sflag:s22] =	ssyncadd.s32 s4;
	_ =	sdelay $0x1  }
0xa7: {  	s23 =	simm.s32 $0x1B8B  }
0xa8: {  	_ =	swait.ge [sflag:s23], $0x1  }
0xa9: {  	[sflag:s23] =	ssyncset.done $0x0  }
0xaa: {  	s25 =	simm.s32 $0x1B8E;
	s24 =	sld [smem:$0x3FFE];
	[sflag:s23] =	ssyncadd.s32 $0xFFFFFFFF  }
0xab: {  	s26 =	simm.s32 $execute0_lowered;
	[smem:$0x3FD2] =	sst s25  }
0xac: {  	s5 =	sshll.u32 s26, $0x1;
	_ =	strace $0x80000046;
	[dreg:$0x1] =	wrdreg $0xFFFFFFFF  }
0xad: {  	s28 =	simm.s32 $_size_execute0_lowered;
	s3 =	sadd.s32 s3, s5;
	[dreg:$0x0] =	wrdreg $0x0  }
0xae: {  	s5 =	sshll.u32 s28, $0x1;
	[dreg:$0x2] =	wrdreg s3  }
0xaf: {  	[dreg:$0x3] =	wrdreg s5  }
0xb0: {  	[dreg:$0x4] =	wrdreg $0xC0  }
0xb1: {  	_ =	task [dreg:s7], $0x5FFFF  }
0xb2: {  	[dreg:$0x1] =	wrdreg $0xFFFFFFFF  }
0xb3: {  	[dreg:$0x0] =	wrdreg $0x60  }
0xb4: {  	[dreg:$0x2] =	wrdreg s24  }
0xb5: {  	[dreg:$0x3] =	wrdreg s16  }
0xb6: {  	[dreg:$0x4] =	wrdreg $0x9  }
0xb7: {  	_ =	task.clear_ibuf [dreg:s7], $0x5FFFF;
	_ =	strace $0x90000046  }
0xb8: {  	s29 =	simm.s32 $0x9;
	_ =	strace $0x80000048  }
0xb9: {  	_ =	swait.ge [sflag:s29], $0x1  }
0xba: {  	[sflag:s29] =	ssyncadd.s32 $0xFFFFFFFF  }
0xbb: {  	_ =	strace $0x90000048  }
0xbc: {  	_ =	sfence  }
0xbd: {  	s30 =	sld [smem:$0x0];
	_ =	sdelay $0x2  }
0xbe: {  	s31 =	sshll.u32 s1, $0xD;
	s1 =	sshrl.u32 s1, $0x2  }
0xbf: {  	s3 =	sand.u32 $0x4000, s31;
	s1 =	sadd.s32 s1, s30  }
0xc0: {  	s0 =	sor.u32 s3, s0;
	s1 =	sshll.u32 s1, $0x11  }
0xc1: {  	s0 =	sor.u32 s1, s0  }
0xc2: {  	s0 =	sadd.s32 $0x8F2B, s0  }
0xc3: {  	[sflag:s0] =	ssyncadd.remote.s32 $0x1  }
0xc4: {  	_ =	sfence.sel $0xFFFF  }
0xc5: {  	[dreg:$0x0] =	wrdreg $0xFFFFFFFF;
	(pc) =	sbr.abs _section_cstart, $3  }
0xc6: {  	[dreg:$0x1] =	wrdreg $0xFFFFFFFF  }
0xc7: {  	_ =	task.clear_ibuf [dreg:s7], $0x2FFFF;
	_ =	strace $0x9FFFFFFF  }
0xc8: {  	(tm) =	ssettm $0x7FFFFFFF  }
0xc9: {  	_ =	shalt  }
tec
execute0_lowered:
.L_overlay_start_1:
0x0: {  	(tag) =	ssettag $0x1  }
0x1: {  	s0 =	rddreg [dreg:$0x0]  }
0x2: {  	s2 =	rddreg [dreg:$0x1]  }
0x3: {  	s3 =	simm.s32 $0x0;
	s1 =	srdreg.scid;
	s4 =	stileid.u32  }
0x4: {  	s18 =	simm.s32 $0x3;
	s28 =	simm.s32 $0x80;
	s29 =	simm.s32 $0x1880  }
0x5: {  	s30 =	simm.s32 $0x2080;
	s31 =	simm.s32 $0x2880;
	s20 =	simm.s32 $0x4080  }
0x6: {  	[smem:$0x7FF] =	sst s3;
	s1 =	sand.u32 $0x1, s1;
	s5 =	sshll.u32 s4, $0x1  }
0x7: {  	s4 =	sadd.s32 $0x40200, s0;
	s11 =	sadd.s32 $0xD0200, s0;
	s13 =	sadd.s32 $0x80200, s0  }
0x8: {  	s15 =	sadd.s32 $0x120200, s0;
	s7 =	sadd.s32 $0x40300, s0;
	s8 =	sor.u32 s1, s5  }
0x9: {  	s9 =	sadd.s32 $0x40500, s0;
	s1 =	ssub.s32 $0x2, s1;
	s10 =	smul.u32 $0x50, s8  }
0xa: {  	_ =	strace $0x80000047;
	s6 =	sshrl.u32 s1, $0x1;
	s14 =	smul.u32 $0x2800, s8  }
0xb: {  	s5 =	sadd.s32 $0x200, s0;
	s8 =	sadd.s32 $0x40400, s0;
	s1 =	ssub.s32 s1, s6  }
0xc: {  	s21 =	sshrl.u32 s10, $0x3;
	s10 =	sadd.s32 $0x28, s10;
	s16 =	sadd.s32 s11, s14  }
0xd: {  	s24 =	sadd.s32 s13, s14;
	s26 =	sadd.s32 s15, s14;
	[dreg:$0x3] =	wrdreg s16  }
0xe: {  	s14 =	sadd.s32 $0x300, s0;
	s6 =	sadd.s32 s0, s21;
	[dreg:$0x5] =	wrdreg s24  }
0xf: {  	s12 =	sshrl.u32 s10, $0x3;
	s17 =	sshll.u32 s10, $0x7;
	[dreg:$0x7] =	wrdreg s26  }
0x10: {  	s16 =	sadd.s32 $0x500, s0;
	s26 =	simm.s32 $0x1080;
	s21 =	simm.s32 $0x4880  }
0x11: {  	[dreg:$0x9] =	wrdreg s6;
	s22 =	sadd.s32 s0, s12;
	s23 =	sadd.s32 s11, s17  }
0x12: {  	s11 =	sadd.s32 $0x100, s2;
	s12 =	sadd.s32 $0x200, s2;
	[dreg:$0xa] =	wrdreg s22  }
0x13: {  	s25 =	sadd.s32 s13, s17;
	s13 =	sadd.s32 $0x300, s2;
	[dreg:$0x4] =	wrdreg s23  }
0x14: {  	v2 =	vlaneseq.u32;
	s17 =	sadd.s32 s15, s17;
	s15 =	sadd.s32 $0x400, s0;
	[dreg:$0x6] =	wrdreg s25  }
0x15: {  	vm0 =	vmmov $0xffff;
	v1 =	vshrl.u32 v2, $0x3;
	s6 =	simm.s32 $0x5080;
	[dreg:$0x8] =	wrdreg s17;
	s17 =	smax.u32 s1, $0x1  }
0x16: {  	v0 =	vand.u32 $0x7, v2;
	v2 =	vor.u32 $0x8, v2;
	v1 =	vmul.u32 $0x8, v1;
	s22 =	simm.s32 $0x1;
	s23 =	simm.s32 $0x2;
	s25 =	simm.s32 $0x880  }
.LBB2_1:
0x17: {  	s10 =	rddreg [dreg:$0x9]  }
0x18: {  	[tilespmem:s3], [sflag:$0x3] =	stream.linear.gather [hbm4b:s10+s3], $0x28, $0x38;
	[tilespmem:$0x14100] =	vst v63  }
0x19: {  	_ =	swait.ge [sflag:s18], $0x28  }
0x1a: {  	[sflag:s18] =	ssyncset.done $0x0  }
0x1b: {  	[sflag:s18] =	ssyncadd.s32 $0xFFFFFFD8  }
0x1c: {  	v3 =	vld [tilespmem:$0x0];
	_ =	sdelay $0x4  }
0x1d: {  	v4 =	vshll.u32 v3, $0x3  }
0x1e: {  	v3 =	vand.u32 $0x7, v3;
	v4 =	vand.u32 $0xFFFFFFC0, v4  }
0x1f: {  	v3 =	vor.u32 v3, v4  }
0x20: {  	v4 =	vperm.xlane v3, v0;
	_ =	sdelay $0x1  }
0x21: {  	v4 =	vadd.s32 v1, v4;
	_ =	sdelay $0x4  }
0x22: {  	[tilespmem:s28], [sflag:$0x1] =	stream.indirect_vreg.gather [hbm4b:s4+s3], $0x80, v4, vm0, $0xb8;
	[tilespmem:$0x14100] =	vst v63  }
0x23: {  	v3 =	vperm.xlane v3, v2  }
0x24: {  	[tilespmem:s25], [sflag:$0x1] =	stream.indirect_vreg.gather [hbm4b:s7+s3], $0x80, v4, vm0, $0xb8;
	[tilespmem:$0x14100] =	vst v63  }
0x25: {  	v3 =	vadd.s32 v1, v3  }
0x26: {  	[tilespmem:s26], [sflag:$0x1] =	stream.indirect_vreg.gather [hbm4b:s8+s3], $0x80, v4, vm0, $0xb8;
	[tilespmem:$0x14100] =	vst v63  }
0x27: {  	_ = 	snop  }
0x28: {  	[tilespmem:s29], [sflag:$0x1] =	stream.indirect_vreg.gather [hbm4b:s9+s3], $0x80, v4, vm0, $0xb8;
	[tilespmem:$0x14100] =	vst v63  }
0x29: {  	_ = 	snop  }
0x2a: {  	[tilespmem:s30], [sflag:$0x1] =	stream.indirect_vreg.gather [hbm4b:s4+s3], $0x80, v3, vm0, $0xb8;
	[tilespmem:$0x14100] =	vst v63  }
0x2b: {  	_ = 	snop  }
0x2c: {  	[tilespmem:s31], [sflag:$0x1] =	stream.indirect_vreg.gather [hbm4b:s7+s3], $0x80, v3, vm0, $0xb8;
	[tilespmem:$0x14100] =	vst v63  }
0x2d: {  	s0 =	simm.s32 $0x3080  }
0x2e: {  	[tilespmem:s0], [sflag:$0x1] =	stream.indirect_vreg.gather [hbm4b:s8+s3], $0x80, v3, vm0, $0xb8;
	[tilespmem:$0x14100] =	vst v63  }
0x2f: {  	s1 =	simm.s32 $0x3880  }
0x30: {  	[tilespmem:s1], [sflag:$0x1] =	stream.indirect_vreg.gather [hbm4b:s9+s3], $0x80, v3, vm0, $0xb8;
	[tilespmem:$0x14100] =	vst v63  }
0x31: {  	v3 =	vld [tilespmem:$0x10];
	_ =	sdelay $0x4  }
0x32: {  	v47 =	vshll.u32 v3, $0x3  }
0x33: {  	v3 =	vand.u32 $0x7, v3;
	v4 =	vand.u32 $0xFFFFFFC0, v47  }
0x34: {  	v3 =	vor.u32 v3, v4  }
0x35: {  	v4 =	vperm.xlane v3, v0;
	_ =	sdelay $0x1  }
0x36: {  	v4 =	vadd.s32 v1, v4;
	_ =	sdelay $0x4  }
0x37: {  	[tilespmem:s20], [sflag:$0x1] =	stream.indirect_vreg.gather [hbm4b:s4+s3], $0x80, v4, vm0, $0xb8;
	[tilespmem:$0x14100] =	vst v63  }
0x38: {  	v3 =	vperm.xlane v3, v2  }
0x39: {  	[tilespmem:s21], [sflag:$0x1] =	stream.indirect_vreg.gather [hbm4b:s7+s3], $0x80, v4, vm0, $0xb8;
	[tilespmem:$0x14100] =	vst v63  }
0x3a: {  	v3 =	vadd.s32 v1, v3  }
0x3b: {  	[tilespmem:s6], [sflag:$0x1] =	stream.indirect_vreg.gather [hbm4b:s8+s3], $0x80, v4, vm0, $0xb8;
	[tilespmem:$0x14100] =	vst v63  }
0x3c: {  	s19 =	simm.s32 $0x5880  }
0x3d: {  	[tilespmem:s19], [sflag:$0x1] =	stream.indirect_vreg.gather [hbm4b:s9+s3], $0x80, v4, vm0, $0xb8;
	[tilespmem:$0x14100] =	vst v63  }
0x3e: {  	s24 =	simm.s32 $0x6080  }
0x3f: {  	[tilespmem:s24], [sflag:$0x1] =	stream.indirect_vreg.gather [hbm4b:s4+s3], $0x80, v3, vm0, $0xb8;
	[tilespmem:$0x14100] =	vst v63  }
0x40: {  	s19 =	simm.s32 $0x6880  }
0x41: {  	[tilespmem:s19], [sflag:$0x1] =	stream.indirect_vreg.gather [hbm4b:s7+s3], $0x80, v3, vm0, $0xb8;
	[tilespmem:$0x14100] =	vst v63  }
0x42: {  	s24 =	simm.s32 $0x7080  }
0x43: {  	[tilespmem:s24], [sflag:$0x1] =	stream.indirect_vreg.gather [hbm4b:s8+s3], $0x80, v3, vm0, $0xb8;
	[tilespmem:$0x14100] =	vst v63  }
0x44: {  	s19 =	simm.s32 $0x7880  }
0x45: {  	[tilespmem:s19], [sflag:$0x1] =	stream.indirect_vreg.gather [hbm4b:s9+s3], $0x80, v3, vm0, $0xb8;
	[tilespmem:$0x14100] =	vst v63  }
0x46: {  	v3 =	vld.msk [tilespmem:$0x20], $0xff;
	_ =	sdelay $0x4  }
0x47: {  	v48 =	vshll.u32 v3, $0x3  }
0x48: {  	v3 =	vand.u32 $0x7, v3;
	v4 =	vand.u32 $0xFFFFFFC0, v48  }
0x49: {  	v3 =	vor.u32 v3, v4  }
0x4a: {  	v3 =	vperm.xlane v3, v0;
	_ =	sdelay $0x1  }
0x4b: {  	v3 =	vadd.s32 v1, v3;
	_ =	sdelay $0x3  }
0x4c: {  	s24 =	simm.s32 $0x8080  }
0x4d: {  	[tilespmem:s24], [sflag:$0x1] =	stream.indirect_vreg.gather [hbm4b:s4+s3], $0x80, v3, vm0, $0xb8;
	[tilespmem:$0x14100] =	vst v63  }
0x4e: {  	s19 =	simm.s32 $0x8880  }
0x4f: {  	[tilespmem:s19], [sflag:$0x1] =	stream.indirect_vreg.gather [hbm4b:s7+s3], $0x80, v3, vm0, $0xb8;
	[tilespmem:$0x14100] =	vst v63  }
0x50: {  	s24 =	simm.s32 $0x9080  }
0x51: {  	[tilespmem:s24], [sflag:$0x1] =	stream.indirect_vreg.gather [hbm4b:s8+s3], $0x80, v3, vm0, $0xb8;
	[tilespmem:$0x14100] =	vst v63  }
0x52: {  	s19 =	simm.s32 $0x9880  }
0x53: {  	[tilespmem:s19], [sflag:$0x1] =	stream.indirect_vreg.gather [hbm4b:s9+s3], $0x80, v3, vm0, $0xb8;
	[tilespmem:$0x14100] =	vst v63  }
0x54: {  	s24 =	simm.s32 $0xA080;
	s19 =	rddreg [dreg:$0xa]  }
0x55: {  	[tilespmem:s24], [sflag:$0x3] =	stream.linear.gather [hbm4b:s19+s3], $0x28, $0x38;
	[tilespmem:$0x14100] =	vst v63  }
0x56: {  	_ =	swait.ge [sflag:s18], $0x28  }
0x57: {  	[sflag:s18] =	ssyncset.done $0x0  }
0x58: {  	[sflag:s18] =	ssyncadd.s32 $0xFFFFFFD8  }
0x59: {  	v3 =	vld [tilespmem:$0xA080];
	_ =	sdelay $0x4  }
0x5a: {  	v49 =	vshll.u32 v3, $0x3  }
0x5b: {  	v3 =	vand.u32 $0x7, v3;
	v4 =	vand.u32 $0xFFFFFFC0, v49  }
0x5c: {  	v3 =	vor.u32 v3, v4  }
0x5d: {  	v4 =	vperm.xlane v3, v0;
	_ =	sdelay $0x1  }
0x5e: {  	v4 =	vadd.s32 v1, v4;
	_ =	sdelay $0x3  }
0x5f: {  	s0 =	simm.s32 $0xA100  }
0x60: {  	[tilespmem:s0], [sflag:$0x2] =	stream.indirect_vreg.gather [hbm4b:s4+s3], $0x80, v4, vm0, $0xb8;
	[tilespmem:$0x14100] =	vst v63  }
0x61: {  	s24 =	simm.s32 $0xA900;
	v3 =	vperm.xlane v3, v2  }
0x62: {  	[tilespmem:s24], [sflag:$0x2] =	stream.indirect_vreg.gather [hbm4b:s7+s3], $0x80, v4, vm0, $0xb8;
	[tilespmem:$0x14100] =	vst v63  }
0x63: {  	v3 =	vadd.s32 v1, v3;
	s24 =	simm.s32 $0xB100  }
0x64: {  	[tilespmem:s24], [sflag:$0x2] =	stream.indirect_vreg.gather [hbm4b:s8+s3], $0x80, v4, vm0, $0xb8;
	[tilespmem:$0x14100] =	vst v63  }
0x65: {  	s24 =	simm.s32 $0xB900  }
0x66: {  	[tilespmem:s24], [sflag:$0x2] =	stream.indirect_vreg.gather [hbm4b:s9+s3], $0x80, v4, vm0, $0xb8;
	[tilespmem:$0x14100] =	vst v63  }
0x67: {  	s24 =	simm.s32 $0xC100  }
0x68: {  	[tilespmem:s24], [sflag:$0x2] =	stream.indirect_vreg.gather [hbm4b:s4+s3], $0x80, v3, vm0, $0xb8;
	[tilespmem:$0x14100] =	vst v63  }
0x69: {  	s24 =	simm.s32 $0xC900  }
0x6a: {  	[tilespmem:s24], [sflag:$0x2] =	stream.indirect_vreg.gather [hbm4b:s7+s3], $0x80, v3, vm0, $0xb8;
	[tilespmem:$0x14100] =	vst v63  }
0x6b: {  	s24 =	simm.s32 $0xD100  }
0x6c: {  	[tilespmem:s24], [sflag:$0x2] =	stream.indirect_vreg.gather [hbm4b:s8+s3], $0x80, v3, vm0, $0xb8;
	[tilespmem:$0x14100] =	vst v63  }
0x6d: {  	s24 =	simm.s32 $0xD900  }
0x6e: {  	[tilespmem:s24], [sflag:$0x2] =	stream.indirect_vreg.gather [hbm4b:s9+s3], $0x80, v3, vm0, $0xb8;
	[tilespmem:$0x14100] =	vst v63  }
0x6f: {  	v3 =	vld [tilespmem:$0xA090];
	_ =	sdelay $0x4  }
0x70: {  	v50 =	vshll.u32 v3, $0x3  }
0x71: {  	v3 =	vand.u32 $0x7, v3;
	v4 =	vand.u32 $0xFFFFFFC0, v50  }
0x72: {  	v3 =	vor.u32 v3, v4  }
0x73: {  	v4 =	vperm.xlane v3, v0;
	_ =	sdelay $0x1  }
0x74: {  	v4 =	vadd.s32 v1, v4;
	_ =	sdelay $0x3  }
0x75: {  	s24 =	simm.s32 $0xE100  }
0x76: {  	[tilespmem:s24], [sflag:$0x2] =	stream.indirect_vreg.gather [hbm4b:s4+s3], $0x80, v4, vm0, $0xb8;
	[tilespmem:$0x14100] =	vst v63  }
0x77: {  	v3 =	vperm.xlane v3, v2;
	s24 =	simm.s32 $0xE900  }
0x78: {  	[tilespmem:s24], [sflag:$0x2] =	stream.indirect_vreg.gather [hbm4b:s7+s3], $0x80, v4, vm0, $0xb8;
	[tilespmem:$0x14100] =	vst v63  }
0x79: {  	v3 =	vadd.s32 v1, v3;
	s24 =	simm.s32 $0xF100  }
0x7a: {  	[tilespmem:s24], [sflag:$0x2] =	stream.indirect_vreg.gather [hbm4b:s8+s3], $0x80, v4, vm0, $0xb8;
	[tilespmem:$0x14100] =	vst v63  }
0x7b: {  	s24 =	simm.s32 $0xF900  }
0x7c: {  	[tilespmem:s24], [sflag:$0x2] =	stream.indirect_vreg.gather [hbm4b:s9+s3], $0x80, v4, vm0, $0xb8;
	[tilespmem:$0x14100] =	vst v63  }
0x7d: {  	s24 =	simm.s32 $0x10100  }
0x7e: {  	[tilespmem:s24], [sflag:$0x2] =	stream.indirect_vreg.gather [hbm4b:s4+s3], $0x80, v3, vm0, $0xb8;
	[tilespmem:$0x14100] =	vst v63  }
0x7f: {  	s24 =	simm.s32 $0x10900  }
0x80: {  	[tilespmem:s24], [sflag:$0x2] =	stream.indirect_vreg.gather [hbm4b:s7+s3], $0x80, v3, vm0, $0xb8;
	[tilespmem:$0x14100] =	vst v63  }
0x81: {  	s24 =	simm.s32 $0x11100  }
0x82: {  	[tilespmem:s24], [sflag:$0x2] =	stream.indirect_vreg.gather [hbm4b:s8+s3], $0x80, v3, vm0, $0xb8;
	[tilespmem:$0x14100] =	vst v63  }
0x83: {  	s24 =	simm.s32 $0x11900  }
0x84: {  	[tilespmem:s24], [sflag:$0x2] =	stream.indirect_vreg.gather [hbm4b:s9+s3], $0x80, v3, vm0, $0xb8;
	[tilespmem:$0x14100] =	vst v63  }
0x85: {  	v3 =	vld.msk [tilespmem:$0xA0A0], $0xff;
	_ =	sdelay $0x4  }
0x86: {  	v51 =	vshll.u32 v3, $0x3  }
0x87: {  	v3 =	vand.u32 $0x7, v3;
	v4 =	vand.u32 $0xFFFFFFC0, v51  }
0x88: {  	v3 =	vor.u32 v3, v4  }
0x89: {  	v3 =	vperm.xlane v3, v0;
	_ =	sdelay $0x1  }
0x8a: {  	v3 =	vadd.s32 v1, v3;
	_ =	sdelay $0x3  }
0x8b: {  	s24 =	simm.s32 $0x12100  }
0x8c: {  	[tilespmem:s24], [sflag:$0x2] =	stream.indirect_vreg.gather [hbm4b:s4+s3], $0x80, v3, vm0, $0xb8;
	[tilespmem:$0x14100] =	vst v63  }
0x8d: {  	s24 =	simm.s32 $0x12900  }
0x8e: {  	[tilespmem:s24], [sflag:$0x2] =	stream.indirect_vreg.gather [hbm4b:s7+s3], $0x80, v3, vm0, $0xb8;
	[tilespmem:$0x14100] =	vst v63  }
0x8f: {  	s24 =	simm.s32 $0x13100  }
0x90: {  	[tilespmem:s24], [sflag:$0x2] =	stream.indirect_vreg.gather [hbm4b:s8+s3], $0x80, v3, vm0, $0xb8;
	[tilespmem:$0x14100] =	vst v63  }
0x91: {  	s24 =	simm.s32 $0x13900  }
0x92: {  	[tilespmem:s24], [sflag:$0x2] =	stream.indirect_vreg.gather [hbm4b:s9+s3], $0x80, v3, vm0, $0xb8;
	[tilespmem:$0x14100] =	vst v63  }
0x93: {  	_ =	swait.ge [sflag:s22], $0xA000  }
0x94: {  	[sflag:s22] =	ssyncset.done $0x0  }
0x95: {  	s24 =	rddreg [dreg:$0x3];
	[sflag:s22] =	ssyncadd.s32 $0xFFFF6000  }
0x96: {  	[hbm4b:s24+s3] =	stream.linear.scatter [tilespmem:s28], [sflag:$0x3], $0xA000, $0x38;
	[tilespmem:$0x14100] =	vst v63  }
0x97: {  	_ =	swait.ge [sflag:s18], $0xA000  }
0x98: {  	[sflag:s18] =	ssyncset.done $0x0  }
0x99: {  	[sflag:s18] =	ssyncadd.s32 $0xFFFF6000  }
0x9a: {  	[tilespmem:s3], [sflag:$0x3] =	stream.linear.gather [hbm4b:s10+s3], $0x28, $0x38;
	[tilespmem:$0x14100] =	vst v63  }
0x9b: {  	_ =	swait.ge [sflag:s18], $0x28  }
0x9c: {  	[sflag:s18] =	ssyncset.done $0x0  }
0x9d: {  	[sflag:s18] =	ssyncadd.s32 $0xFFFFFFD8  }
0x9e: {  	v3 =	vld [tilespmem:$0x0];
	_ =	sdelay $0x4  }
0x9f: {  	v52 =	vshll.u32 v3, $0x3  }
0xa0: {  	v3 =	vand.u32 $0x7, v3;
	v4 =	vand.u32 $0xFFFFFFC0, v52  }
0xa1: {  	v3 =	vor.u32 v3, v4  }
0xa2: {  	v4 =	vperm.xlane v3, v0;
	_ =	sdelay $0x1  }
0xa3: {  	v4 =	vadd.s32 v1, v4;
	_ =	sdelay $0x4  }
0xa4: {  	[tilespmem:s28], [sflag:$0x1] =	stream.indirect_vreg.gather [hbm4b:s2+s3], $0x80, v4, vm0, $0xb8;
	[tilespmem:$0x14100] =	vst v63  }
0xa5: {  	v3 =	vperm.xlane v3, v2  }
0xa6: {  	[tilespmem:s25], [sflag:$0x1] =	stream.indirect_vreg.gather [hbm4b:s11+s3], $0x80, v4, vm0, $0xb8;
	[tilespmem:$0x14100] =	vst v63  }
0xa7: {  	v3 =	vadd.s32 v1, v3  }
0xa8: {  	[tilespmem:s26], [sflag:$0x1] =	stream.indirect_vreg.gather [hbm4b:s12+s3], $0x80, v4, vm0, $0xb8;
	[tilespmem:$0x14100] =	vst v63  }
0xa9: {  	_ = 	snop  }
0xaa: {  	[tilespmem:s29], [sflag:$0x1] =	stream.indirect_vreg.gather [hbm4b:s13+s3], $0x80, v4, vm0, $0xb8;
	[tilespmem:$0x14100] =	vst v63  }
0xab: {  	_ = 	snop  }
0xac: {  	[tilespmem:s30], [sflag:$0x1] =	stream.indirect_vreg.gather [hbm4b:s2+s3], $0x80, v3, vm0, $0xb8;
	[tilespmem:$0x14100] =	vst v63  }
0xad: {  	_ = 	snop  }
0xae: {  	[tilespmem:s31], [sflag:$0x1] =	stream.indirect_vreg.gather [hbm4b:s11+s3], $0x80, v3, vm0, $0xb8;
	[tilespmem:$0x14100] =	vst v63  }
0xaf: {  	s24 =	simm.s32 $0x3080  }
0xb0: {  	[tilespmem:s24], [sflag:$0x1] =	stream.indirect_vreg.gather [hbm4b:s12+s3], $0x80, v3, vm0, $0xb8;
	[tilespmem:$0x14100] =	vst v63  }
0xb1: {  	_ = 	snop  }
0xb2: {  	[tilespmem:s1], [sflag:$0x1] =	stream.indirect_vreg.gather [hbm4b:s13+s3], $0x80, v3, vm0, $0xb8;
	[tilespmem:$0x14100] =	vst v63  }
0xb3: {  	v3 =	vld [tilespmem:$0x10];
	_ =	sdelay $0x4  }
0xb4: {  	v53 =	vshll.u32 v3, $0x3  }
0xb5: {  	v3 =	vand.u32 $0x7, v3;
	v4 =	vand.u32 $0xFFFFFFC0, v53  }
0xb6: {  	v3 =	vor.u32 v3, v4  }
0xb7: {  	v4 =	vperm.xlane v3, v0;
	_ =	sdelay $0x1  }
0xb8: {  	v4 =	vadd.s32 v1, v4;
	_ =	sdelay $0x4  }
0xb9: {  	[tilespmem:s20], [sflag:$0x1] =	stream.indirect_vreg.gather [hbm4b:s2+s3], $0x80, v4, vm0, $0xb8;
	[tilespmem:$0x14100] =	vst v63  }
0xba: {  	v3 =	vperm.xlane v3, v2  }
0xbb: {  	[tilespmem:s21], [sflag:$0x1] =	stream.indirect_vreg.gather [hbm4b:s11+s3], $0x80, v4, vm0, $0xb8;
	[tilespmem:$0x14100] =	vst v63  }
0xbc: {  	v3 =	vadd.s32 v1, v3  }
0xbd: {  	[tilespmem:s6], [sflag:$0x1] =	stream.indirect_vreg.gather [hbm4b:s12+s3], $0x80, v4, vm0, $0xb8;
	[tilespmem:$0x14100] =	vst v63  }
0xbe: {  	s24 =	simm.s32 $0x5880  }
0xbf: {  	[tilespmem:s24], [sflag:$0x1] =	stream.indirect_vreg.gather [hbm4b:s13+s3], $0x80, v4, vm0, $0xb8;
	[tilespmem:$0x14100] =	vst v63  }
0xc0: {  	s24 =	simm.s32 $0x6080  }
0xc1: {  	[tilespmem:s24], [sflag:$0x1] =	stream.indirect_vreg.gather [hbm4b:s2+s3], $0x80, v3, vm0, $0xb8;
	[tilespmem:$0x14100] =	vst v63  }
0xc2: {  	s24 =	simm.s32 $0x6880  }
0xc3: {  	[tilespmem:s24], [sflag:$0x1] =	stream.indirect_vreg.gather [hbm4b:s11+s3], $0x80, v3, vm0, $0xb8;
	[tilespmem:$0x14100] =	vst v63  }
0xc4: {  	s24 =	simm.s32 $0x7080  }
0xc5: {  	[tilespmem:s24], [sflag:$0x1] =	stream.indirect_vreg.gather [hbm4b:s12+s3], $0x80, v3, vm0, $0xb8;
	[tilespmem:$0x14100] =	vst v63  }
0xc6: {  	s24 =	simm.s32 $0x7880  }
0xc7: {  	[tilespmem:s24], [sflag:$0x1] =	stream.indirect_vreg.gather [hbm4b:s13+s3], $0x80, v3, vm0, $0xb8;
	[tilespmem:$0x14100] =	vst v63  }
0xc8: {  	v3 =	vld.msk [tilespmem:$0x20], $0xff;
	_ =	sdelay $0x4  }
0xc9: {  	v54 =	vshll.u32 v3, $0x3  }
0xca: {  	v3 =	vand.u32 $0x7, v3;
	v4 =	vand.u32 $0xFFFFFFC0, v54  }
0xcb: {  	v3 =	vor.u32 v3, v4  }
0xcc: {  	v3 =	vperm.xlane v3, v0;
	_ =	sdelay $0x1  }
0xcd: {  	v3 =	vadd.s32 v1, v3;
	_ =	sdelay $0x3  }
0xce: {  	s24 =	simm.s32 $0x8080  }
0xcf: {  	[tilespmem:s24], [sflag:$0x1] =	stream.indirect_vreg.gather [hbm4b:s2+s3], $0x80, v3, vm0, $0xb8;
	[tilespmem:$0x14100] =	vst v63  }
0xd0: {  	s24 =	simm.s32 $0x8880  }
0xd1: {  	[tilespmem:s24], [sflag:$0x1] =	stream.indirect_vreg.gather [hbm4b:s11+s3], $0x80, v3, vm0, $0xb8;
	[tilespmem:$0x14100] =	vst v63  }
0xd2: {  	s24 =	simm.s32 $0x9080  }
0xd3: {  	[tilespmem:s24], [sflag:$0x1] =	stream.indirect_vreg.gather [hbm4b:s12+s3], $0x80, v3, vm0, $0xb8;
	[tilespmem:$0x14100] =	vst v63  }
0xd4: {  	s24 =	simm.s32 $0x9880  }
0xd5: {  	[tilespmem:s24], [sflag:$0x1] =	stream.indirect_vreg.gather [hbm4b:s13+s3], $0x80, v3, vm0, $0xb8;
	[tilespmem:$0x14100] =	vst v63  }
0xd6: {  	_ =	swait.ge [sflag:s23], $0xA000  }
0xd7: {  	[sflag:s23] =	ssyncset.done $0x0  }
0xd8: {  	s24 =	rddreg [dreg:$0x4];
	[sflag:s23] =	ssyncadd.s32 $0xFFFF6000  }
0xd9: {  	[hbm4b:s24+s3] =	stream.linear.scatter [tilespmem:s0], [sflag:$0x3], $0xA000, $0x38;
	[tilespmem:$0x14100] =	vst v63  }
0xda: {  	_ =	swait.ge [sflag:s18], $0xA000  }
0xdb: {  	[sflag:s18] =	ssyncset.done $0x0  }
0xdc: {  	s24 =	simm.s32 $0xA080;
	[sflag:s18] =	ssyncadd.s32 $0xFFFF6000  }
0xdd: {  	[tilespmem:s24], [sflag:$0x3] =	stream.linear.gather [hbm4b:s19+s3], $0x28, $0x38;
	[tilespmem:$0x14100] =	vst v63  }
0xde: {  	_ =	swait.ge [sflag:s18], $0x28  }
0xdf: {  	[sflag:s18] =	ssyncset.done $0x0  }
0xe0: {  	[sflag:s18] =	ssyncadd.s32 $0xFFFFFFD8  }
0xe1: {  	v3 =	vld [tilespmem:$0xA080];
	_ =	sdelay $0x4  }
0xe2: {  	v55 =	vshll.u32 v3, $0x3  }
0xe3: {  	v3 =	vand.u32 $0x7, v3;
	v4 =	vand.u32 $0xFFFFFFC0, v55  }
0xe4: {  	v3 =	vor.u32 v3, v4  }
0xe5: {  	v4 =	vperm.xlane v3, v0;
	_ =	sdelay $0x1  }
0xe6: {  	v4 =	vadd.s32 v1, v4;
	_ =	sdelay $0x4  }
0xe7: {  	[tilespmem:s0], [sflag:$0x2] =	stream.indirect_vreg.gather [hbm4b:s2+s3], $0x80, v4, vm0, $0xb8;
	[tilespmem:$0x14100] =	vst v63  }
0xe8: {  	s24 =	simm.s32 $0xA900;
	v3 =	vperm.xlane v3, v2  }
0xe9: {  	[tilespmem:s24], [sflag:$0x2] =	stream.indirect_vreg.gather [hbm4b:s11+s3], $0x80, v4, vm0, $0xb8;
	[tilespmem:$0x14100] =	vst v63  }
0xea: {  	v3 =	vadd.s32 v1, v3;
	s24 =	simm.s32 $0xB100  }
0xeb: {  	[tilespmem:s24], [sflag:$0x2] =	stream.indirect_vreg.gather [hbm4b:s12+s3], $0x80, v4, vm0, $0xb8;
	[tilespmem:$0x14100] =	vst v63  }
0xec: {  	s24 =	simm.s32 $0xB900  }
0xed: {  	[tilespmem:s24], [sflag:$0x2] =	stream.indirect_vreg.gather [hbm4b:s13+s3], $0x80, v4, vm0, $0xb8;
	[tilespmem:$0x14100] =	vst v63  }
0xee: {  	s24 =	simm.s32 $0xC100  }
0xef: {  	[tilespmem:s24], [sflag:$0x2] =	stream.indirect_vreg.gather [hbm4b:s2+s3], $0x80, v3, vm0, $0xb8;
	[tilespmem:$0x14100] =	vst v63  }
0xf0: {  	s24 =	simm.s32 $0xC900  }
0xf1: {  	[tilespmem:s24], [sflag:$0x2] =	stream.indirect_vreg.gather [hbm4b:s11+s3], $0x80, v3, vm0, $0xb8;
	[tilespmem:$0x14100] =	vst v63  }
0xf2: {  	s24 =	simm.s32 $0xD100  }
0xf3: {  	[tilespmem:s24], [sflag:$0x2] =	stream.indirect_vreg.gather [hbm4b:s12+s3], $0x80, v3, vm0, $0xb8;
	[tilespmem:$0x14100] =	vst v63  }
0xf4: {  	s24 =	simm.s32 $0xD900  }
0xf5: {  	[tilespmem:s24], [sflag:$0x2] =	stream.indirect_vreg.gather [hbm4b:s13+s3], $0x80, v3, vm0, $0xb8;
	[tilespmem:$0x14100] =	vst v63  }
0xf6: {  	v3 =	vld [tilespmem:$0xA090];
	_ =	sdelay $0x4  }
0xf7: {  	v56 =	vshll.u32 v3, $0x3  }
0xf8: {  	v3 =	vand.u32 $0x7, v3;
	v4 =	vand.u32 $0xFFFFFFC0, v56  }
0xf9: {  	v3 =	vor.u32 v3, v4  }
0xfa: {  	v4 =	vperm.xlane v3, v0;
	_ =	sdelay $0x1  }
0xfb: {  	v4 =	vadd.s32 v1, v4;
	_ =	sdelay $0x3  }
0xfc: {  	s24 =	simm.s32 $0xE100  }
0xfd: {  	[tilespmem:s24], [sflag:$0x2] =	stream.indirect_vreg.gather [hbm4b:s2+s3], $0x80, v4, vm0, $0xb8;
	[tilespmem:$0x14100] =	vst v63  }
0xfe: {  	v3 =	vperm.xlane v3, v2;
	s24 =	simm.s32 $0xE900  }
0xff: {  	[tilespmem:s24], [sflag:$0x2] =	stream.indirect_vreg.gather [hbm4b:s11+s3], $0x80, v4, vm0, $0xb8;
	[tilespmem:$0x14100] =	vst v63  }
0x100: {  	v3 =	vadd.s32 v1, v3;
	s24 =	simm.s32 $0xF100  }
0x101: {  	[tilespmem:s24], [sflag:$0x2] =	stream.indirect_vreg.gather [hbm4b:s12+s3], $0x80, v4, vm0, $0xb8;
	[tilespmem:$0x14100] =	vst v63  }
0x102: {  	s24 =	simm.s32 $0xF900  }
0x103: {  	[tilespmem:s24], [sflag:$0x2] =	stream.indirect_vreg.gather [hbm4b:s13+s3], $0x80, v4, vm0, $0xb8;
	[tilespmem:$0x14100] =	vst v63  }
0x104: {  	s24 =	simm.s32 $0x10100  }
0x105: {  	[tilespmem:s24], [sflag:$0x2] =	stream.indirect_vreg.gather [hbm4b:s2+s3], $0x80, v3, vm0, $0xb8;
	[tilespmem:$0x14100] =	vst v63  }
0x106: {  	s24 =	simm.s32 $0x10900  }
0x107: {  	[tilespmem:s24], [sflag:$0x2] =	stream.indirect_vreg.gather [hbm4b:s11+s3], $0x80, v3, vm0, $0xb8;
	[tilespmem:$0x14100] =	vst v63  }
0x108: {  	s24 =	simm.s32 $0x11100  }
0x109: {  	[tilespmem:s24], [sflag:$0x2] =	stream.indirect_vreg.gather [hbm4b:s12+s3], $0x80, v3, vm0, $0xb8;
	[tilespmem:$0x14100] =	vst v63  }
0x10a: {  	s24 =	simm.s32 $0x11900  }
0x10b: {  	[tilespmem:s24], [sflag:$0x2] =	stream.indirect_vreg.gather [hbm4b:s13+s3], $0x80, v3, vm0, $0xb8;
	[tilespmem:$0x14100] =	vst v63  }
0x10c: {  	v3 =	vld.msk [tilespmem:$0xA0A0], $0xff;
	_ =	sdelay $0x4  }
0x10d: {  	v57 =	vshll.u32 v3, $0x3  }
0x10e: {  	v3 =	vand.u32 $0x7, v3;
	v4 =	vand.u32 $0xFFFFFFC0, v57  }
0x10f: {  	v3 =	vor.u32 v3, v4  }
0x110: {  	v3 =	vperm.xlane v3, v0;
	_ =	sdelay $0x1  }
0x111: {  	v3 =	vadd.s32 v1, v3;
	_ =	sdelay $0x3  }
0x112: {  	s24 =	simm.s32 $0x12100  }
0x113: {  	[tilespmem:s24], [sflag:$0x2] =	stream.indirect_vreg.gather [hbm4b:s2+s3], $0x80, v3, vm0, $0xb8;
	[tilespmem:$0x14100] =	vst v63  }
0x114: {  	s24 =	simm.s32 $0x12900  }
0x115: {  	[tilespmem:s24], [sflag:$0x2] =	stream.indirect_vreg.gather [hbm4b:s11+s3], $0x80, v3, vm0, $0xb8;
	[tilespmem:$0x14100] =	vst v63  }
0x116: {  	s24 =	simm.s32 $0x13100  }
0x117: {  	[tilespmem:s24], [sflag:$0x2] =	stream.indirect_vreg.gather [hbm4b:s12+s3], $0x80, v3, vm0, $0xb8;
	[tilespmem:$0x14100] =	vst v63  }
0x118: {  	s24 =	simm.s32 $0x13900  }
0x119: {  	[tilespmem:s24], [sflag:$0x2] =	stream.indirect_vreg.gather [hbm4b:s13+s3], $0x80, v3, vm0, $0xb8;
	[tilespmem:$0x14100] =	vst v63  }
0x11a: {  	_ =	swait.ge [sflag:s22], $0xA000  }
0x11b: {  	[sflag:s22] =	ssyncset.done $0x0  }
0x11c: {  	s24 =	rddreg [dreg:$0x5];
	[sflag:s22] =	ssyncadd.s32 $0xFFFF6000  }
0x11d: {  	[hbm4b:s24+s3] =	stream.linear.scatter [tilespmem:s28], [sflag:$0x3], $0xA000, $0x38;
	[tilespmem:$0x14100] =	vst v63  }
0x11e: {  	_ =	swait.ge [sflag:s18], $0xA000  }
0x11f: {  	[sflag:s18] =	ssyncset.done $0x0  }
0x120: {  	[sflag:s18] =	ssyncadd.s32 $0xFFFF6000  }
0x121: {  	[tilespmem:s3], [sflag:$0x3] =	stream.linear.gather [hbm4b:s10+s3], $0x28, $0x38;
	[tilespmem:$0x14100] =	vst v63  }
0x122: {  	_ =	swait.ge [sflag:s18], $0x28  }
0x123: {  	[sflag:s18] =	ssyncset.done $0x0  }
0x124: {  	[sflag:s18] =	ssyncadd.s32 $0xFFFFFFD8  }
0x125: {  	v3 =	vld [tilespmem:$0x0];
	_ =	sdelay $0x4  }
0x126: {  	v58 =	vshll.u32 v3, $0x3  }
0x127: {  	v3 =	vand.u32 $0x7, v3;
	v4 =	vand.u32 $0xFFFFFFC0, v58  }
0x128: {  	v3 =	vor.u32 v3, v4  }
0x129: {  	v4 =	vperm.xlane v3, v0;
	_ =	sdelay $0x1  }
0x12a: {  	v4 =	vadd.s32 v1, v4;
	_ =	sdelay $0x4  }
0x12b: {  	[tilespmem:s28], [sflag:$0x1] =	stream.indirect_vreg.gather [hbm4b:s5+s3], $0x80, v4, vm0, $0xb8;
	[tilespmem:$0x14100] =	vst v63  }
0x12c: {  	v3 =	vperm.xlane v3, v2  }
0x12d: {  	[tilespmem:s25], [sflag:$0x1] =	stream.indirect_vreg.gather [hbm4b:s14+s3], $0x80, v4, vm0, $0xb8;
	[tilespmem:$0x14100] =	vst v63  }
0x12e: {  	v3 =	vadd.s32 v1, v3  }
0x12f: {  	[tilespmem:s26], [sflag:$0x1] =	stream.indirect_vreg.gather [hbm4b:s15+s3], $0x80, v4, vm0, $0xb8;
	[tilespmem:$0x14100] =	vst v63  }
0x130: {  	_ = 	snop  }
0x131: {  	[tilespmem:s29], [sflag:$0x1] =	stream.indirect_vreg.gather [hbm4b:s16+s3], $0x80, v4, vm0, $0xb8;
	[tilespmem:$0x14100] =	vst v63  }
0x132: {  	_ = 	snop  }
0x133: {  	[tilespmem:s30], [sflag:$0x1] =	stream.indirect_vreg.gather [hbm4b:s5+s3], $0x80, v3, vm0, $0xb8;
	[tilespmem:$0x14100] =	vst v63  }
0x134: {  	_ = 	snop  }
0x135: {  	[tilespmem:s31], [sflag:$0x1] =	stream.indirect_vreg.gather [hbm4b:s14+s3], $0x80, v3, vm0, $0xb8;
	[tilespmem:$0x14100] =	vst v63  }
0x136: {  	s24 =	simm.s32 $0x3080  }
0x137: {  	[tilespmem:s24], [sflag:$0x1] =	stream.indirect_vreg.gather [hbm4b:s15+s3], $0x80, v3, vm0, $0xb8;
	[tilespmem:$0x14100] =	vst v63  }
0x138: {  	_ = 	snop  }
0x139: {  	[tilespmem:s1], [sflag:$0x1] =	stream.indirect_vreg.gather [hbm4b:s16+s3], $0x80, v3, vm0, $0xb8;
	[tilespmem:$0x14100] =	vst v63  }
0x13a: {  	v3 =	vld [tilespmem:$0x10];
	_ =	sdelay $0x4  }
0x13b: {  	v59 =	vshll.u32 v3, $0x3  }
0x13c: {  	v3 =	vand.u32 $0x7, v3;
	v4 =	vand.u32 $0xFFFFFFC0, v59  }
0x13d: {  	v3 =	vor.u32 v3, v4  }
0x13e: {  	v4 =	vperm.xlane v3, v0;
	_ =	sdelay $0x1  }
0x13f: {  	v4 =	vadd.s32 v1, v4;
	_ =	sdelay $0x4  }
0x140: {  	[tilespmem:s20], [sflag:$0x1] =	stream.indirect_vreg.gather [hbm4b:s5+s3], $0x80, v4, vm0, $0xb8;
	[tilespmem:$0x14100] =	vst v63  }
0x141: {  	v3 =	vperm.xlane v3, v2  }
0x142: {  	[tilespmem:s21], [sflag:$0x1] =	stream.indirect_vreg.gather [hbm4b:s14+s3], $0x80, v4, vm0, $0xb8;
	[tilespmem:$0x14100] =	vst v63  }
0x143: {  	v3 =	vadd.s32 v1, v3  }
0x144: {  	[tilespmem:s6], [sflag:$0x1] =	stream.indirect_vreg.gather [hbm4b:s15+s3], $0x80, v4, vm0, $0xb8;
	[tilespmem:$0x14100] =	vst v63  }
0x145: {  	s24 =	simm.s32 $0x5880  }
0x146: {  	[tilespmem:s24], [sflag:$0x1] =	stream.indirect_vreg.gather [hbm4b:s16+s3], $0x80, v4, vm0, $0xb8;
	[tilespmem:$0x14100] =	vst v63  }
0x147: {  	s10 =	simm.s32 $0x6080  }
0x148: {  	[tilespmem:s10], [sflag:$0x1] =	stream.indirect_vreg.gather [hbm4b:s5+s3], $0x80, v3, vm0, $0xb8;
	[tilespmem:$0x14100] =	vst v63  }
0x149: {  	s24 =	simm.s32 $0x6880  }
0x14a: {  	[tilespmem:s24], [sflag:$0x1] =	stream.indirect_vreg.gather [hbm4b:s14+s3], $0x80, v3, vm0, $0xb8;
	[tilespmem:$0x14100] =	vst v63  }
0x14b: {  	s10 =	simm.s32 $0x7080  }
0x14c: {  	[tilespmem:s10], [sflag:$0x1] =	stream.indirect_vreg.gather [hbm4b:s15+s3], $0x80, v3, vm0, $0xb8;
	[tilespmem:$0x14100] =	vst v63  }
0x14d: {  	s24 =	simm.s32 $0x7880  }
0x14e: {  	[tilespmem:s24], [sflag:$0x1] =	stream.indirect_vreg.gather [hbm4b:s16+s3], $0x80, v3, vm0, $0xb8;
	[tilespmem:$0x14100] =	vst v63  }
0x14f: {  	v3 =	vld.msk [tilespmem:$0x20], $0xff;
	_ =	sdelay $0x4  }
0x150: {  	v60 =	vshll.u32 v3, $0x3  }
0x151: {  	v3 =	vand.u32 $0x7, v3;
	v4 =	vand.u32 $0xFFFFFFC0, v60  }
0x152: {  	v3 =	vor.u32 v3, v4  }
0x153: {  	v3 =	vperm.xlane v3, v0;
	_ =	sdelay $0x1  }
0x154: {  	v3 =	vadd.s32 v1, v3;
	_ =	sdelay $0x3  }
0x155: {  	s10 =	simm.s32 $0x8080  }
0x156: {  	[tilespmem:s10], [sflag:$0x1] =	stream.indirect_vreg.gather [hbm4b:s5+s3], $0x80, v3, vm0, $0xb8;
	[tilespmem:$0x14100] =	vst v63  }
0x157: {  	s24 =	simm.s32 $0x8880  }
0x158: {  	[tilespmem:s24], [sflag:$0x1] =	stream.indirect_vreg.gather [hbm4b:s14+s3], $0x80, v3, vm0, $0xb8;
	[tilespmem:$0x14100] =	vst v63  }
0x159: {  	s10 =	simm.s32 $0x9080  }
0x15a: {  	[tilespmem:s10], [sflag:$0x1] =	stream.indirect_vreg.gather [hbm4b:s15+s3], $0x80, v3, vm0, $0xb8;
	[tilespmem:$0x14100] =	vst v63  }
0x15b: {  	s24 =	simm.s32 $0x9880  }
0x15c: {  	[tilespmem:s24], [sflag:$0x1] =	stream.indirect_vreg.gather [hbm4b:s16+s3], $0x80, v3, vm0, $0xb8;
	[tilespmem:$0x14100] =	vst v63  }
0x15d: {  	_ =	swait.ge [sflag:s23], $0xA000  }
0x15e: {  	[sflag:s23] =	ssyncset.done $0x0  }
0x15f: {  	s1 =	rddreg [dreg:$0x6];
	[sflag:s23] =	ssyncadd.s32 $0xFFFF6000  }
0x160: {  	[hbm4b:s1+s3] =	stream.linear.scatter [tilespmem:s0], [sflag:$0x3], $0xA000, $0x38;
	[tilespmem:$0x14100] =	vst v63  }
0x161: {  	_ =	swait.ge [sflag:s18], $0xA000  }
0x162: {  	[sflag:s18] =	ssyncset.done $0x0  }
0x163: {  	s10 =	simm.s32 $0xA080;
	[sflag:s18] =	ssyncadd.s32 $0xFFFF6000  }
0x164: {  	[tilespmem:s10], [sflag:$0x3] =	stream.linear.gather [hbm4b:s19+s3], $0x28, $0x38;
	[tilespmem:$0x14100] =	vst v63  }
0x165: {  	_ =	swait.ge [sflag:s18], $0x28  }
0x166: {  	[sflag:s18] =	ssyncset.done $0x0  }
0x167: {  	[sflag:s18] =	ssyncadd.s32 $0xFFFFFFD8  }
0x168: {  	v3 =	vld [tilespmem:$0xA080];
	_ =	sdelay $0x4  }
0x169: {  	v61 =	vshll.u32 v3, $0x3  }
0x16a: {  	v3 =	vand.u32 $0x7, v3;
	v4 =	vand.u32 $0xFFFFFFC0, v61  }
0x16b: {  	v3 =	vor.u32 v3, v4  }
0x16c: {  	v4 =	vperm.xlane v3, v0;
	_ =	sdelay $0x1  }
0x16d: {  	v4 =	vadd.s32 v1, v4;
	_ =	sdelay $0x4  }
0x16e: {  	[tilespmem:s0], [sflag:$0x2] =	stream.indirect_vreg.gather [hbm4b:s5+s3], $0x80, v4, vm0, $0xb8;
	[tilespmem:$0x14100] =	vst v63  }
0x16f: {  	s24 =	simm.s32 $0xA900;
	v3 =	vperm.xlane v3, v2  }
0x170: {  	[tilespmem:s24], [sflag:$0x2] =	stream.indirect_vreg.gather [hbm4b:s14+s3], $0x80, v4, vm0, $0xb8;
	[tilespmem:$0x14100] =	vst v63  }
0x171: {  	s10 =	simm.s32 $0xB100;
	v3 =	vadd.s32 v1, v3  }
0x172: {  	[tilespmem:s10], [sflag:$0x2] =	stream.indirect_vreg.gather [hbm4b:s15+s3], $0x80, v4, vm0, $0xb8;
	[tilespmem:$0x14100] =	vst v63  }
0x173: {  	s19 =	simm.s32 $0xB900  }
0x174: {  	[tilespmem:s19], [sflag:$0x2] =	stream.indirect_vreg.gather [hbm4b:s16+s3], $0x80, v4, vm0, $0xb8;
	[tilespmem:$0x14100] =	vst v63  }
0x175: {  	s24 =	simm.s32 $0xC100  }
0x176: {  	[tilespmem:s24], [sflag:$0x2] =	stream.indirect_vreg.gather [hbm4b:s5+s3], $0x80, v3, vm0, $0xb8;
	[tilespmem:$0x14100] =	vst v63  }
0x177: {  	s10 =	simm.s32 $0xC900  }
0x178: {  	[tilespmem:s10], [sflag:$0x2] =	stream.indirect_vreg.gather [hbm4b:s14+s3], $0x80, v3, vm0, $0xb8;
	[tilespmem:$0x14100] =	vst v63  }
0x179: {  	s19 =	simm.s32 $0xD100  }
0x17a: {  	[tilespmem:s19], [sflag:$0x2] =	stream.indirect_vreg.gather [hbm4b:s15+s3], $0x80, v3, vm0, $0xb8;
	[tilespmem:$0x14100] =	vst v63  }
0x17b: {  	s24 =	simm.s32 $0xD900  }
0x17c: {  	[tilespmem:s24], [sflag:$0x2] =	stream.indirect_vreg.gather [hbm4b:s16+s3], $0x80, v3, vm0, $0xb8;
	[tilespmem:$0x14100] =	vst v63  }
0x17d: {  	v3 =	vld [tilespmem:$0xA090];
	_ =	sdelay $0x4  }
0x17e: {  	v62 =	vshll.u32 v3, $0x3  }
0x17f: {  	v3 =	vand.u32 $0x7, v3;
	v4 =	vand.u32 $0xFFFFFFC0, v62  }
0x180: {  	v3 =	vor.u32 v3, v4  }
0x181: {  	v4 =	vperm.xlane v3, v0;
	_ =	sdelay $0x1  }
0x182: {  	v4 =	vadd.s32 v1, v4;
	_ =	sdelay $0x3  }
0x183: {  	s10 =	simm.s32 $0xE100  }
0x184: {  	[tilespmem:s10], [sflag:$0x2] =	stream.indirect_vreg.gather [hbm4b:s5+s3], $0x80, v4, vm0, $0xb8;
	[tilespmem:$0x14100] =	vst v63  }
0x185: {  	s19 =	simm.s32 $0xE900;
	v3 =	vperm.xlane v3, v2  }
0x186: {  	[tilespmem:s19], [sflag:$0x2] =	stream.indirect_vreg.gather [hbm4b:s14+s3], $0x80, v4, vm0, $0xb8;
	[tilespmem:$0x14100] =	vst v63  }
0x187: {  	s24 =	simm.s32 $0xF100;
	v3 =	vadd.s32 v1, v3  }
0x188: {  	[tilespmem:s24], [sflag:$0x2] =	stream.indirect_vreg.gather [hbm4b:s15+s3], $0x80, v4, vm0, $0xb8;
	[tilespmem:$0x14100] =	vst v63  }
0x189: {  	s10 =	simm.s32 $0xF900  }
0x18a: {  	[tilespmem:s10], [sflag:$0x2] =	stream.indirect_vreg.gather [hbm4b:s16+s3], $0x80, v4, vm0, $0xb8;
	[tilespmem:$0x14100] =	vst v63  }
0x18b: {  	s19 =	simm.s32 $0x10100  }
0x18c: {  	[tilespmem:s19], [sflag:$0x2] =	stream.indirect_vreg.gather [hbm4b:s5+s3], $0x80, v3, vm0, $0xb8;
	[tilespmem:$0x14100] =	vst v63  }
0x18d: {  	s24 =	simm.s32 $0x10900  }
0x18e: {  	[tilespmem:s24], [sflag:$0x2] =	stream.indirect_vreg.gather [hbm4b:s14+s3], $0x80, v3, vm0, $0xb8;
	[tilespmem:$0x14100] =	vst v63  }
0x18f: {  	s10 =	simm.s32 $0x11100  }
0x190: {  	[tilespmem:s10], [sflag:$0x2] =	stream.indirect_vreg.gather [hbm4b:s15+s3], $0x80, v3, vm0, $0xb8;
	[tilespmem:$0x14100] =	vst v63  }
0x191: {  	s19 =	simm.s32 $0x11900  }
0x192: {  	[tilespmem:s19], [sflag:$0x2] =	stream.indirect_vreg.gather [hbm4b:s16+s3], $0x80, v3, vm0, $0xb8;
	[tilespmem:$0x14100] =	vst v63  }
0x193: {  	v3 =	vld.msk [tilespmem:$0xA0A0], $0xff;
	_ =	sdelay $0x4  }
0x194: {  	v63 =	vshll.u32 v3, $0x3  }
0x195: {  	v3 =	vand.u32 $0x7, v3;
	v4 =	vand.u32 $0xFFFFFFC0, v63  }
0x196: {  	v3 =	vor.u32 v3, v4  }
0x197: {  	v3 =	vperm.xlane v3, v0;
	_ =	sdelay $0x1  }
0x198: {  	v3 =	vadd.s32 v1, v3;
	_ =	sdelay $0x3  }
0x199: {  	s24 =	simm.s32 $0x12100  }
0x19a: {  	[tilespmem:s24], [sflag:$0x2] =	stream.indirect_vreg.gather [hbm4b:s5+s3], $0x80, v3, vm0, $0xb8;
	[tilespmem:$0x14100] =	vst v63  }
0x19b: {  	s10 =	simm.s32 $0x12900  }
0x19c: {  	[tilespmem:s10], [sflag:$0x2] =	stream.indirect_vreg.gather [hbm4b:s14+s3], $0x80, v3, vm0, $0xb8;
	[tilespmem:$0x14100] =	vst v63  }
0x19d: {  	s19 =	simm.s32 $0x13100  }
0x19e: {  	[tilespmem:s19], [sflag:$0x2] =	stream.indirect_vreg.gather [hbm4b:s15+s3], $0x80, v3, vm0, $0xb8;
	[tilespmem:$0x14100] =	vst v63  }
0x19f: {  	s24 =	simm.s32 $0x13900  }
0x1a0: {  	[tilespmem:s24], [sflag:$0x2] =	stream.indirect_vreg.gather [hbm4b:s16+s3], $0x80, v3, vm0, $0xb8;
	[tilespmem:$0x14100] =	vst v63  }
0x1a1: {  	_ =	swait.ge [sflag:s22], $0xA000  }
0x1a2: {  	[sflag:s22] =	ssyncset.done $0x0  }
0x1a3: {  	s10 =	rddreg [dreg:$0x7];
	[sflag:s22] =	ssyncadd.s32 $0xFFFF6000  }
0x1a4: {  	[hbm4b:s10+s3] =	stream.linear.scatter [tilespmem:s28], [sflag:$0x3], $0xA000, $0x38;
	[tilespmem:$0x14100] =	vst v63  }
0x1a5: {  	_ =	swait.ge [sflag:s18], $0xA000  }
0x1a6: {  	[sflag:s18] =	ssyncset.done $0x0  }
0x1a7: {  	[sflag:s18] =	ssyncadd.s32 $0xFFFF6000  }
0x1a8: {  	_ =	swait.ge [sflag:s23], $0xA000  }
0x1a9: {  	p0 =	sne.s32 s17, $0x1;
	[sflag:s23] =	ssyncset.done $0x0  }
.Ltmp0:
0x1aa: {  	s19 =	rddreg [dreg:$0x8];
	[sflag:s23] =	ssyncadd.s32 $0xFFFF6000;
	(pc) =	sbr.rel @p0 .LBB2_1-.Ltmp0, $4  }
0x1ab: {  	[hbm4b:s19+s3] =	stream.linear.scatter [tilespmem:s0], [sflag:$0x3], $0xA000, $0x38;
	[tilespmem:$0x14100] =	vst v63  }
0x1ac: {  	_ =	swait.ge [sflag:s18], $0xA000  }
0x1ad: {  	[sflag:s18] =	ssyncset.done $0x0  }
0x1ae: {  	s17 =	sadd.s32 $0xFFFFFFFF, s17;
	[sflag:s18] =	ssyncadd.s32 $0xFFFF6000  }
0x1af: {  	_ =	sfence.sel $0x180000  }
0x1b0: {  	[bflag:$0x0] =	sbarrier.arrive $0xFFFF  }
0x1b1: {  	_ =	strace $0x90000047  }
0x1b2: {  	s0 =	stileid.u32;
	[bflag:$0x2] =	sbarrier.arrive $0xFFFF  }
0x1b3: {  	p0 =	sne.s32 s0, $0x0;
	s0 =	rddreg [dreg:$0x2]  }
0x1b4: {  	s0 =	sadd.s32 @!p0 $0x100000, s0  }
0x1b5: {  	[sflag:s0] =	ssyncadd.tile.s32 @!p0 $0x1;
	_ =	shalt  }
.Lfunc_end2:
_tile_overlayer_lowered:
.L_overlay_start_2:
0x1b6: {  	(tag) =	ssettag $0x2  }
0x1b7: {  	s0 =	rddreg [dreg:$0x0];
	s2 =	stileid.u32  }
0x1b8: {  	s1 =	rddreg [dreg:$0x1];
	p0 =	sne.s32 s2, $0x0  }
0x1b9: {  	s3 =	rddreg [dreg:$0x2];
	[bflag:$0x3] =	sbarrier.arrive $0xFFFF;
	s2 =	simm.s32 @!p0 $0x1C03  }
0x1ba: {  	[timem:s3], [sflag:s2] =	dma.local @!p0 [hbm:s0], s1  }
0x1bb: {  	s0 =	simm.s32 @!p0 $0x3  }
0x1bc: {  	_ =	swait.ge @!p0 [sflag:s0], s1  }
0x1bd: {  	s1 =	ssub.s32 @!p0 $0x0, s1;
	[sflag:s0] =	ssyncset.done @!p0 $0x0  }
0x1be: {  	[sflag:s0] =	ssyncadd.s32 @!p0 s1  }
0x1bf: {  	[bflag:$0x3] =	sbarrier.arrive $0xFFFF  }
0x1c0: {  	_ =	shalt  }

</sc_bundles>
